<compile_context>
chip_gen: v7x
topology: tpu7x:2x2x1
jax: 0.10.2.dev20260603
libtpu: 0.0.44.dev20260713+nightly
codegen_flags: <defaults>
</compile_context>

<pallas_src>
import functools

import jax
import jax.numpy as jnp
from jax import lax
from jax.experimental import pallas as pl
from jax.experimental.pallas import tpu as pltpu
from jax.experimental.pallas import tpu_sc as plsc

B = 16
CIN = 768
T = 576
CD = 64
K = 8192
KS = 256

NC = 2
NS = 16
NW = NC * NS
ROWS = B * T
BPW = ROWS // NW
NCH = 3
CH = BPW // NCH
CDP = 128


def _encode_body(z_ref, w_ref, b_ref, cbt_ref, ze_ref, idx_ref):
    z = z_ref[0]
    w = w_ref[...]
    ze_t = lax.dot_general(z, w, (((0,), (1,)), ((), ())),
                           preferred_element_type=jnp.float32)
    ze_t = ze_t + b_ref[...]
    ze_ref[0] = ze_t.T
    n = jnp.sqrt(jnp.sum(ze_t * ze_t, axis=1, keepdims=True))
    enc = ze_t / jnp.maximum(n, 1e-12)
    enc_aug = jnp.concatenate(
        [enc, jnp.ones((T, 1), jnp.float32)], axis=1)
    rmax = None
    rgs = None
    for j in range(K // KS):
        s = lax.dot_general(enc_aug, cbt_ref[:, pl.ds(j * KS, KS)],
                            (((1,), (0,)), ((), ())),
                            preferred_element_type=jnp.float32)
        NG = KS // 128
        vals = [s[:, g * 128:(g + 1) * 128] for g in range(NG)]
        ids = [jnp.int32(NG * j + g) for g in range(NG)]
        while len(vals) > 1:
            nv, ni = [], []
            for a in range(0, len(vals), 2):
                lo, hi = vals[a], vals[a + 1]
                w_hi = hi > lo
                nv.append(jnp.maximum(lo, hi))
                ni.append(jnp.where(w_hi, ids[a + 1], ids[a]))
            vals, ids = nv, ni
        m, gs = vals[0], ids[0]
        if rmax is None:
            rmax, rgs = m, gs
        else:
            upd = m > rmax
            rmax = jnp.maximum(m, rmax)
            rgs = jnp.where(upd, gs, rgs)
    rmax_t = rmax.T
    kvec_t = rgs.T * 128 + lax.broadcasted_iota(jnp.int32, (128, T), 0)
    fmax_t = jnp.max(rmax_t, axis=0, keepdims=True)
    fidx_t = jnp.min(jnp.where(rmax_t == fmax_t, kvec_t, jnp.int32(K)),
                     axis=0, keepdims=True)
    idx_ref[0] = fidx_t


def _decode_body(zq_ref, ze_ref, w_ref, b_ref, out_ref, loss_ref):
    zq = zq_ref[0, :, :CD]
    ze = ze_ref[0]
    w = w_ref[...]
    o = lax.dot_general(w, zq, (((1,), (1,)), ((), ())),
                        preferred_element_type=jnp.float32)
    out_ref[0] = o + b_ref[...]
    d = ze - zq.T
    loss_ref[0] = jnp.full((1, 128), jnp.sum(d * d), jnp.float32)


@functools.cache
def _make_gather_rows():
    mesh = plsc.VectorSubcoreMesh(core_axis_name="c", subcore_axis_name="s")

    @functools.partial(
        pl.kernel,
        mesh=mesh,
        out_type=jax.ShapeDtypeStruct((ROWS, CDP), jnp.float32),
        scratch_types=[
            pltpu.VMEM((NCH, CH), jnp.int32),
            pltpu.VMEM((BPW, CDP), jnp.float32),
            pltpu.SemaphoreType.DMA,
        ],
    )
    def _gather_rows(idx_hbm, table_hbm, out_hbm, idx_v, rows_v, sem):
        wid = lax.axis_index("s") * NC + lax.axis_index("c")
        pltpu.sync_copy(idx_hbm.at[wid], idx_v)
        copies = []
        for j in range(NCH):
            copies.append(pltpu.async_copy(
                table_hbm.at[idx_v.at[j]],
                rows_v.at[pl.ds(j * CH, CH)], sem))
        for j in range(NCH):
            copies[j].wait()
            pltpu.sync_copy(rows_v.at[pl.ds(j * CH, CH)],
                            out_hbm.at[pl.ds(wid * BPW + j * CH, CH)])

    return _gather_rows


def _wn(v, g):
    n = jnp.sqrt(jnp.sum(v * v, axis=1, keepdims=True))
    return g[:, None] * v / jnp.maximum(n, 1e-12)


def kernel(z, in_v, in_g, in_b, out_v, out_g, out_b, codebook):
    w_in = _wn(in_v, in_g)
    w_out = _wn(out_v, out_g)
    cbn = codebook / jnp.maximum(
        jnp.sqrt(jnp.sum(codebook * codebook, axis=1, keepdims=True)), 1e-12)
    cbt_aug = jnp.concatenate(
        [cbn.T, -0.5 * jnp.sum(cbn * cbn, axis=1)[None, :]], axis=0)

    ze, idx3 = pl.pallas_call(
        _encode_body,
        grid=(B,),
        in_specs=[
            pl.BlockSpec((1, CIN, T), lambda b: (b, 0, 0)),
            pl.BlockSpec((CD, CIN), lambda b: (0, 0)),
            pl.BlockSpec((1, CD), lambda b: (0, 0)),
            pl.BlockSpec((CD + 1, K), lambda b: (0, 0)),
        ],
        out_specs=[
            pl.BlockSpec((1, CD, T), lambda b: (b, 0, 0)),
            pl.BlockSpec((1, 1, T), lambda b: (b, 0, 0)),
        ],
        out_shape=[
            jax.ShapeDtypeStruct((B, CD, T), jnp.float32),
            jax.ShapeDtypeStruct((B, 1, T), jnp.int32),
        ],
    )(z, w_in, in_b.reshape(1, CD), cbt_aug)

    indices = idx3.reshape(B, T)
    cb_pad = jnp.pad(codebook, ((0, 0), (0, CDP - CD)))
    zq_rows = _make_gather_rows()(indices.reshape(NW, NCH, CH), cb_pad)

    out, loss3 = pl.pallas_call(
        _decode_body,
        grid=(B,),
        in_specs=[
            pl.BlockSpec((1, T, CDP), lambda b: (b, 0, 0)),
            pl.BlockSpec((1, CD, T), lambda b: (b, 0, 0)),
            pl.BlockSpec((CIN, CD), lambda b: (0, 0)),
            pl.BlockSpec((CIN, 1), lambda b: (0, 0)),
        ],
        out_specs=[
            pl.BlockSpec((1, CIN, T), lambda b: (b, 0, 0)),
            pl.BlockSpec((1, 1, 128), lambda b: (b, 0, 0)),
        ],
        out_shape=[
            jax.ShapeDtypeStruct((B, CIN, T), jnp.float32),
            jax.ShapeDtypeStruct((B, 1, 128), jnp.float32),
        ],
    )(zq_rows.reshape(B, T, CDP), ze, w_out, out_b.reshape(CIN, 1))

    loss = loss3[:, 0, 0] * (1.0 / (CD * T))
    return out, loss, loss, indices, ze

# --- scband reference (transcript-rebuilt; emitter-appended) ---
"""Pipeline reference for scband-vector-quantize-55070070669391 (READ-ONLY COPY).

The authoritative reference and input builder live on the scoring server;
editing this copy changes nothing except your own understanding.
"""

import jax, jax.numpy as jnp
import numpy as np


def _wn_weight(v, g):
    # torch weight_norm with dim=0: w = g * v / ||v|| per output channel
    n = jnp.sqrt(jnp.sum(v * v, axis=1, keepdims=True))
    return g[:, None] * v / jnp.maximum(n, 1e-12)


def _l2_normalize(x):
    # F.normalize(x, p=2, dim=1, eps=1e-12)
    n = jnp.sqrt(jnp.sum(x * x, axis=1, keepdims=True))
    return x / jnp.maximum(n, 1e-12)


def setup_inputs(seed: int = 0) -> dict:
    key = jax.random.key(seed)
    ks = jax.random.split(key, 5)
    z = jax.random.normal(ks[0], (16, 768, 576), dtype=jnp.float32)
    in_v = jax.random.normal(ks[1], (64, 768), dtype=jnp.float32) * 0.02
    in_g = jnp.ones((64,), dtype=jnp.float32)
    in_b = jnp.zeros((64,), dtype=jnp.float32)
    out_v = jax.random.normal(ks[2], (768, 64), dtype=jnp.float32) * 0.02
    out_g = jnp.ones((768,), dtype=jnp.float32)
    out_b = jnp.zeros((768,), dtype=jnp.float32)
    codebook = jax.random.normal(ks[3], (8192, 64), dtype=jnp.float32)
    return {"z": z, "in_v": in_v, "in_g": in_g, "in_b": in_b,
            "out_v": out_v, "out_g": out_g, "out_b": out_b, "codebook": codebook}


def reference(z, in_v, in_g, in_b, out_v, out_g, out_b, codebook):
    # in_proj: weight-normalized 1x1 Conv1d (input_dim -> codebook_dim)
    w_in = _wn_weight(in_v, in_g)
    z_e = jnp.einsum('oi,bit->bot', w_in, z) + in_b[None, :, None]

    # decode_latents
    b, cd, t = z_e.shape
    encodings = jnp.transpose(z_e, (0, 2, 1)).reshape(b * t, cd)
    enc_n = _l2_normalize(encodings)
    cb_n = _l2_normalize(codebook)
    dist = (jnp.sum(enc_n ** 2, axis=1, keepdims=True)
            - 2.0 * enc_n @ cb_n.T
            + jnp.sum(cb_n ** 2, axis=1)[None, :])
    indices = jnp.argmax(-dist, axis=1).reshape(b, t)
    # decode_code: embedding lookup then transpose -> [B, codebook_dim, T]
    z_q = jnp.transpose(jnp.take(codebook, indices, axis=0), (0, 2, 1))

    commitment_loss = jnp.mean((z_e - jax.lax.stop_gradient(z_q)) ** 2, axis=(1, 2))
    codebook_loss = jnp.mean((z_q - jax.lax.stop_gradient(z_e)) ** 2, axis=(1, 2))

    # straight-through estimator
    z_q_st = z_e + jax.lax.stop_gradient(z_q - z_e)

    # out_proj: weight-normalized 1x1 Conv1d (codebook_dim -> input_dim)
    w_out = _wn_weight(out_v, out_g)
    out = jnp.einsum('oi,bit->bot', w_out, z_q_st) + out_b[None, :, None]
    return (out, commitment_loss, codebook_loss, indices, z_e)

if __name__ == "__main__":
    import jax
    _d = setup_inputs()
    print(jax.jit(kernel)(*tuple(_d.values())))

</pallas_src>

<mosaic_0001>
#map = affine_map<(d0, d1) -> (0, 0, 0)>
#map1 = affine_map<(d0, d1) -> (0, 0)>
module attributes {stable_mosaic.version = 14 : i64} {
  func.func @_gather_rows(%arg0: i32, %arg1: i32, %arg2: memref<32x3x96xi32, #tpu.memory_space<hbm>>, %arg3: memref<8192x128xf32, #tpu.memory_space<hbm>>, %arg4: memref<9216x128xf32, #tpu.memory_space<hbm>>, %arg5: memref<3x96xi32, #tpu.memory_space<vmem>>, %arg6: memref<288x128xf32, #tpu.memory_space<vmem>>, %arg7: memref<!tpu.dma_semaphore, #tpu.memory_space<semaphore_mem>>) attributes {dimension_semantics = [#tpu.dimension_semantics<core_parallel>, #tpu.dimension_semantics<subcore_parallel>], iteration_bounds = array<i64: 2, 16>, scalar_prefetch = 0 : i64, scratch_operands = 3 : i64, tpu.core_type = #tpu.core_type<sc_vector_subcore>, window_params = [{transform_indices = #map}, {transform_indices = #map1}, {transform_indices = #map1}]} {
    %mul3A = arith.constant 2 : i32
    %mul3A_0 = arith.muli %arg1, %mul3A : i32
    %add3A = arith.addi %mul3A_0, %arg0 : i32
    "tpu.region"() ({
      %run_scoped3A = tpu.sem_alloc : memref<!tpu.dma_semaphore, #tpu.memory_space<semaphore_mem>>
      %dma_start3A_71 = arith.constant 0 : i32
      %dma_start3A_72 = arith.constant 0 : i32
      %dma_start3A_73 = tpu.memref_slice %arg2[%add3A, %dma_start3A_71, %dma_start3A_72] : memref<32x3x96xi32, #tpu.memory_space<hbm>> -> memref<1x3x96xi32, #tpu.memory_space<hbm>>
      %dma_start3A_74 = tpu.memref_squeeze %dma_start3A_73 : memref<1x3x96xi32, #tpu.memory_space<hbm>> -> memref<3x96xi32, #tpu.memory_space<hbm>>
      %dma_start3A_75 = arith.constant 0 : i32
      %dma_start3A_76 = arith.constant 0 : i32
      %dma_start3A_77 = tpu.memref_slice %arg2[%add3A, %dma_start3A_75, %dma_start3A_76] : memref<32x3x96xi32, #tpu.memory_space<hbm>> -> memref<1x3x96xi32, #tpu.memory_space<hbm>>
      %dma_start3A_78 = tpu.memref_squeeze %dma_start3A_77 : memref<1x3x96xi32, #tpu.memory_space<hbm>> -> memref<3x96xi32, #tpu.memory_space<hbm>>
      tpu.enqueue_dma source(%dma_start3A_78 : memref<3x96xi32, #tpu.memory_space<hbm>>) target(%arg5 : memref<3x96xi32, #tpu.memory_space<vmem>>) target_semaphore(%run_scoped3A : memref<!tpu.dma_semaphore, #tpu.memory_space<semaphore_mem>>)
      %dma_wait3A_79 = arith.constant 0 : i32
      %dma_wait3A_80 = arith.constant 0 : i32
      %dma_wait3A_81 = tpu.memref_slice %arg2[%add3A, %dma_wait3A_79, %dma_wait3A_80] : memref<32x3x96xi32, #tpu.memory_space<hbm>> -> memref<1x3x96xi32, #tpu.memory_space<hbm>>
      %dma_wait3A_82 = tpu.memref_squeeze %dma_wait3A_81 : memref<1x3x96xi32, #tpu.memory_space<hbm>> -> memref<3x96xi32, #tpu.memory_space<hbm>>
      %dma_wait3A_83 = arith.constant 0 : i32
      %dma_wait3A_84 = arith.constant 0 : i32
      %dma_wait3A_85 = tpu.memref_slice %arg2[%add3A, %dma_wait3A_83, %dma_wait3A_84] : memref<32x3x96xi32, #tpu.memory_space<hbm>> -> memref<1x3x96xi32, #tpu.memory_space<hbm>>
      %dma_wait3A_86 = tpu.memref_squeeze %dma_wait3A_85 : memref<1x3x96xi32, #tpu.memory_space<hbm>> -> memref<3x96xi32, #tpu.memory_space<hbm>>
      tpu.wait_dma2 semaphore(%run_scoped3A : memref<!tpu.dma_semaphore, #tpu.memory_space<semaphore_mem>>) src(%dma_wait3A_86 : memref<3x96xi32, #tpu.memory_space<hbm>>) dst(%arg5 : memref<3x96xi32, #tpu.memory_space<vmem>>)
      tpu.yield
    }) : () -> ()
    %dma_start3A = arith.constant 0 : i32
    %dma_start3A_1 = arith.constant 0 : i32
    %dma_start3A_2 = arith.constant 0 : i32
    %dma_start3A_3 = tpu.memref_slice %arg6[%dma_start3A_1, %dma_start3A_2] : memref<288x128xf32, #tpu.memory_space<vmem>> -> memref<96x128xf32, #tpu.memory_space<vmem>>
    %dma_start3A_4 = arith.constant 0 : i32
    %dma_start3A_5 = tpu.memref_slice %arg5[%dma_start3A, %dma_start3A_4] : memref<3x96xi32, #tpu.memory_space<vmem>> -> memref<1x96xi32, #tpu.memory_space<vmem>>
    %dma_start3A_6 = tpu.memref_squeeze %dma_start3A_5 : memref<1x96xi32, #tpu.memory_space<vmem>> -> memref<96xi32, #tpu.memory_space<vmem>>
    %dma_start3A_7 = arith.constant 0 : i32
    %dma_start3A_8 = arith.constant 0 : i32
    %dma_start3A_9 = tpu.memref_slice %arg3[%dma_start3A_7, %dma_start3A_8] : memref<8192x128xf32, #tpu.memory_space<hbm>> -> memref<8192x128xf32, #tpu.memory_space<hbm>>
    tpu.enqueue_indirect_dma source(%dma_start3A_9 : memref<8192x128xf32, #tpu.memory_space<hbm>>) target(%dma_start3A_3 : memref<96x128xf32, #tpu.memory_space<vmem>>) offsets(%dma_start3A_6 : memref<96xi32, #tpu.memory_space<vmem>>) semaphore(%arg7 : memref<!tpu.dma_semaphore, #tpu.memory_space<semaphore_mem>>)
    %dma_start3A_10 = arith.constant 1 : i32
    %dma_start3A_11 = arith.constant 96 : i32
    %dma_start3A_12 = arith.constant 0 : i32
    %dma_start3A_13 = tpu.memref_slice %arg6[%dma_start3A_11, %dma_start3A_12] : memref<288x128xf32, #tpu.memory_space<vmem>> -> memref<96x128xf32, #tpu.memory_space<vmem>>
    %dma_start3A_14 = arith.constant 0 : i32
    %dma_start3A_15 = tpu.memref_slice %arg5[%dma_start3A_10, %dma_start3A_14] : memref<3x96xi32, #tpu.memory_space<vmem>> -> memref<1x96xi32, #tpu.memory_space<vmem>>
    %dma_start3A_16 = tpu.memref_squeeze %dma_start3A_15 : memref<1x96xi32, #tpu.memory_space<vmem>> -> memref<96xi32, #tpu.memory_space<vmem>>
    %dma_start3A_17 = arith.constant 0 : i32
    %dma_start3A_18 = arith.constant 0 : i32
    %dma_start3A_19 = tpu.memref_slice %arg3[%dma_start3A_17, %dma_start3A_18] : memref<8192x128xf32, #tpu.memory_space<hbm>> -> memref<8192x128xf32, #tpu.memory_space<hbm>>
    tpu.enqueue_indirect_dma source(%dma_start3A_19 : memref<8192x128xf32, #tpu.memory_space<hbm>>) target(%dma_start3A_13 : memref<96x128xf32, #tpu.memory_space<vmem>>) offsets(%dma_start3A_16 : memref<96xi32, #tpu.memory_space<vmem>>) semaphore(%arg7 : memref<!tpu.dma_semaphore, #tpu.memory_space<semaphore_mem>>)
    %dma_start3A_20 = arith.constant 2 : i32
    %dma_start3A_21 = arith.constant 192 : i32
    %dma_start3A_22 = arith.constant 0 : i32
    %dma_start3A_23 = tpu.memref_slice %arg6[%dma_start3A_21, %dma_start3A_22] : memref<288x128xf32, #tpu.memory_space<vmem>> -> memref<96x128xf32, #tpu.memory_space<vmem>>
    %dma_start3A_24 = arith.constant 0 : i32
    %dma_start3A_25 = tpu.memref_slice %arg5[%dma_start3A_20, %dma_start3A_24] : memref<3x96xi32, #tpu.memory_space<vmem>> -> memref<1x96xi32, #tpu.memory_space<vmem>>
    %dma_start3A_26 = tpu.memref_squeeze %dma_start3A_25 : memref<1x96xi32, #tpu.memory_space<vmem>> -> memref<96xi32, #tpu.memory_space<vmem>>
    %dma_start3A_27 = arith.constant 0 : i32
    %dma_start3A_28 = arith.constant 0 : i32
    %dma_start3A_29 = tpu.memref_slice %arg3[%dma_start3A_27, %dma_start3A_28] : memref<8192x128xf32, #tpu.memory_space<hbm>> -> memref<8192x128xf32, #tpu.memory_space<hbm>>
    tpu.enqueue_indirect_dma source(%dma_start3A_29 : memref<8192x128xf32, #tpu.memory_space<hbm>>) target(%dma_start3A_23 : memref<96x128xf32, #tpu.memory_space<vmem>>) offsets(%dma_start3A_26 : memref<96xi32, #tpu.memory_space<vmem>>) semaphore(%arg7 : memref<!tpu.dma_semaphore, #tpu.memory_space<semaphore_mem>>)
    %dma_wait3A = arith.constant 0 : i32
    %dma_wait3A_30 = arith.constant 0 : i32
    %dma_wait3A_31 = arith.constant 0 : i32
    %dma_wait3A_32 = tpu.memref_slice %arg6[%dma_wait3A_30, %dma_wait3A_31] : memref<288x128xf32, #tpu.memory_space<vmem>> -> memref<96x128xf32, #tpu.memory_space<vmem>>
    %dma_wait3A_33 = arith.constant 0 : i32
    %dma_wait3A_34 = tpu.memref_slice %arg5[%dma_wait3A, %dma_wait3A_33] : memref<3x96xi32, #tpu.memory_space<vmem>> -> memref<1x96xi32, #tpu.memory_space<vmem>>
    %dma_wait3A_35 = tpu.memref_squeeze %dma_wait3A_34 : memref<1x96xi32, #tpu.memory_space<vmem>> -> memref<96xi32, #tpu.memory_space<vmem>>
    %dma_wait3A_36 = arith.constant 0 : i32
    %dma_wait3A_37 = arith.constant 0 : i32
    %dma_wait3A_38 = tpu.memref_slice %arg3[%dma_wait3A_36, %dma_wait3A_37] : memref<8192x128xf32, #tpu.memory_space<hbm>> -> memref<8192x128xf32, #tpu.memory_space<hbm>>
    tpu.wait_indirect_dma semaphore(%arg7 : memref<!tpu.dma_semaphore, #tpu.memory_space<semaphore_mem>>) src(%dma_wait3A_38 : memref<8192x128xf32, #tpu.memory_space<hbm>>) dst(%dma_wait3A_32 : memref<96x128xf32, #tpu.memory_space<vmem>>)
    %mul3A_39 = arith.constant 288 : i32
    %mul3A_40 = arith.muli %add3A, %mul3A_39 : i32
    %add3A_41 = arith.constant 0 : i32
    %add3A_42 = arith.addi %mul3A_40, %add3A_41 : i32
    "tpu.region"() ({
      %run_scoped3A = tpu.sem_alloc : memref<!tpu.dma_semaphore, #tpu.memory_space<semaphore_mem>>
      %dma_start3A_71 = arith.constant 0 : i32
      %dma_start3A_72 = arith.constant 0 : i32
      %dma_start3A_73 = tpu.memref_slice %arg6[%dma_start3A_71, %dma_start3A_72] : memref<288x128xf32, #tpu.memory_space<vmem>> -> memref<96x128xf32, #tpu.memory_space<vmem>>
      %dma_start3A_74 = arith.constant 0 : i32
      %dma_start3A_75 = tpu.memref_slice %arg4[%add3A_42, %dma_start3A_74] : memref<9216x128xf32, #tpu.memory_space<hbm>> -> memref<96x128xf32, #tpu.memory_space<hbm>>
      %dma_start3A_76 = arith.constant 0 : i32
      %dma_start3A_77 = tpu.memref_slice %arg4[%add3A_42, %dma_start3A_76] : memref<9216x128xf32, #tpu.memory_space<hbm>> -> memref<96x128xf32, #tpu.memory_space<hbm>>
      %dma_start3A_78 = arith.constant 0 : i32
      %dma_start3A_79 = arith.constant 0 : i32
      %dma_start3A_80 = tpu.memref_slice %arg6[%dma_start3A_78, %dma_start3A_79] : memref<288x128xf32, #tpu.memory_space<vmem>> -> memref<96x128xf32, #tpu.memory_space<vmem>>
      tpu.enqueue_dma source(%dma_start3A_80 : memref<96x128xf32, #tpu.memory_space<vmem>>) target(%dma_start3A_77 : memref<96x128xf32, #tpu.memory_space<hbm>>) target_semaphore(%run_scoped3A : memref<!tpu.dma_semaphore, #tpu.memory_space<semaphore_mem>>)
      %dma_wait3A_81 = arith.constant 0 : i32
      %dma_wait3A_82 = arith.constant 0 : i32
      %dma_wait3A_83 = tpu.memref_slice %arg6[%dma_wait3A_81, %dma_wait3A_82] : memref<288x128xf32, #tpu.memory_space<vmem>> -> memref<96x128xf32, #tpu.memory_space<vmem>>
      %dma_wait3A_84 = arith.constant 0 : i32
      %dma_wait3A_85 = tpu.memref_slice %arg4[%add3A_42, %dma_wait3A_84] : memref<9216x128xf32, #tpu.memory_space<hbm>> -> memref<96x128xf32, #tpu.memory_space<hbm>>
      %dma_wait3A_86 = arith.constant 0 : i32
      %dma_wait3A_87 = tpu.memref_slice %arg4[%add3A_42, %dma_wait3A_86] : memref<9216x128xf32, #tpu.memory_space<hbm>> -> memref<96x128xf32, #tpu.memory_space<hbm>>
      %dma_wait3A_88 = arith.constant 0 : i32
      %dma_wait3A_89 = arith.constant 0 : i32
      %dma_wait3A_90 = tpu.memref_slice %arg6[%dma_wait3A_88, %dma_wait3A_89] : memref<288x128xf32, #tpu.memory_space<vmem>> -> memref<96x128xf32, #tpu.memory_space<vmem>>
      tpu.wait_dma2 semaphore(%run_scoped3A : memref<!tpu.dma_semaphore, #tpu.memory_space<semaphore_mem>>) src(%dma_wait3A_90 : memref<96x128xf32, #tpu.memory_space<vmem>>) dst(%dma_wait3A_87 : memref<96x128xf32, #tpu.memory_space<hbm>>)
      tpu.yield
    }) : () -> ()
    %dma_wait3A_43 = arith.constant 1 : i32
    %dma_wait3A_44 = arith.constant 96 : i32
    %dma_wait3A_45 = arith.constant 0 : i32
    %dma_wait3A_46 = tpu.memref_slice %arg6[%dma_wait3A_44, %dma_wait3A_45] : memref<288x128xf32, #tpu.memory_space<vmem>> -> memref<96x128xf32, #tpu.memory_space<vmem>>
    %dma_wait3A_47 = arith.constant 0 : i32
    %dma_wait3A_48 = tpu.memref_slice %arg5[%dma_wait3A_43, %dma_wait3A_47] : memref<3x96xi32, #tpu.memory_space<vmem>> -> memref<1x96xi32, #tpu.memory_space<vmem>>
    %dma_wait3A_49 = tpu.memref_squeeze %dma_wait3A_48 : memref<1x96xi32, #tpu.memory_space<vmem>> -> memref<96xi32, #tpu.memory_space<vmem>>
    %dma_wait3A_50 = arith.constant 0 : i32
    %dma_wait3A_51 = arith.constant 0 : i32
    %dma_wait3A_52 = tpu.memref_slice %arg3[%dma_wait3A_50, %dma_wait3A_51] : memref<8192x128xf32, #tpu.memory_space<hbm>> -> memref<8192x128xf32, #tpu.memory_space<hbm>>
    tpu.wait_indirect_dma semaphore(%arg7 : memref<!tpu.dma_semaphore, #tpu.memory_space<semaphore_mem>>) src(%dma_wait3A_52 : memref<8192x128xf32, #tpu.memory_space<hbm>>) dst(%dma_wait3A_46 : memref<96x128xf32, #tpu.memory_space<vmem>>)
    %mul3A_53 = arith.constant 288 : i32
    %mul3A_54 = arith.muli %add3A, %mul3A_53 : i32
    %add3A_55 = arith.constant 96 : i32
    %add3A_56 = arith.addi %mul3A_54, %add3A_55 : i32
    "tpu.region"() ({
      %run_scoped3A = tpu.sem_alloc : memref<!tpu.dma_semaphore, #tpu.memory_space<semaphore_mem>>
      %dma_start3A_71 = arith.constant 96 : i32
      %dma_start3A_72 = arith.constant 0 : i32
      %dma_start3A_73 = tpu.memref_slice %arg6[%dma_start3A_71, %dma_start3A_72] : memref<288x128xf32, #tpu.memory_space<vmem>> -> memref<96x128xf32, #tpu.memory_space<vmem>>
      %dma_start3A_74 = arith.constant 0 : i32
      %dma_start3A_75 = tpu.memref_slice %arg4[%add3A_56, %dma_start3A_74] : memref<9216x128xf32, #tpu.memory_space<hbm>> -> memref<96x128xf32, #tpu.memory_space<hbm>>
      %dma_start3A_76 = arith.constant 0 : i32
      %dma_start3A_77 = tpu.memref_slice %arg4[%add3A_56, %dma_start3A_76] : memref<9216x128xf32, #tpu.memory_space<hbm>> -> memref<96x128xf32, #tpu.memory_space<hbm>>
      %dma_start3A_78 = arith.constant 96 : i32
      %dma_start3A_79 = arith.constant 0 : i32
      %dma_start3A_80 = tpu.memref_slice %arg6[%dma_start3A_78, %dma_start3A_79] : memref<288x128xf32, #tpu.memory_space<vmem>> -> memref<96x128xf32, #tpu.memory_space<vmem>>
      tpu.enqueue_dma source(%dma_start3A_80 : memref<96x128xf32, #tpu.memory_space<vmem>>) target(%dma_start3A_77 : memref<96x128xf32, #tpu.memory_space<hbm>>) target_semaphore(%run_scoped3A : memref<!tpu.dma_semaphore, #tpu.memory_space<semaphore_mem>>)
      %dma_wait3A_81 = arith.constant 96 : i32
      %dma_wait3A_82 = arith.constant 0 : i32
      %dma_wait3A_83 = tpu.memref_slice %arg6[%dma_wait3A_81, %dma_wait3A_82] : memref<288x128xf32, #tpu.memory_space<vmem>> -> memref<96x128xf32, #tpu.memory_space<vmem>>
      %dma_wait3A_84 = arith.constant 0 : i32
      %dma_wait3A_85 = tpu.memref_slice %arg4[%add3A_56, %dma_wait3A_84] : memref<9216x128xf32, #tpu.memory_space<hbm>> -> memref<96x128xf32, #tpu.memory_space<hbm>>
      %dma_wait3A_86 = arith.constant 0 : i32
      %dma_wait3A_87 = tpu.memref_slice %arg4[%add3A_56, %dma_wait3A_86] : memref<9216x128xf32, #tpu.memory_space<hbm>> -> memref<96x128xf32, #tpu.memory_space<hbm>>
      %dma_wait3A_88 = arith.constant 96 : i32
      %dma_wait3A_89 = arith.constant 0 : i32
      %dma_wait3A_90 = tpu.memref_slice %arg6[%dma_wait3A_88, %dma_wait3A_89] : memref<288x128xf32, #tpu.memory_space<vmem>> -> memref<96x128xf32, #tpu.memory_space<vmem>>
      tpu.wait_dma2 semaphore(%run_scoped3A : memref<!tpu.dma_semaphore, #tpu.memory_space<semaphore_mem>>) src(%dma_wait3A_90 : memref<96x128xf32, #tpu.memory_space<vmem>>) dst(%dma_wait3A_87 : memref<96x128xf32, #tpu.memory_space<hbm>>)
      tpu.yield
    }) : () -> ()
    %dma_wait3A_57 = arith.constant 2 : i32
    %dma_wait3A_58 = arith.constant 192 : i32
    %dma_wait3A_59 = arith.constant 0 : i32
    %dma_wait3A_60 = tpu.memref_slice %arg6[%dma_wait3A_58, %dma_wait3A_59] : memref<288x128xf32, #tpu.memory_space<vmem>> -> memref<96x128xf32, #tpu.memory_space<vmem>>
    %dma_wait3A_61 = arith.constant 0 : i32
    %dma_wait3A_62 = tpu.memref_slice %arg5[%dma_wait3A_57, %dma_wait3A_61] : memref<3x96xi32, #tpu.memory_space<vmem>> -> memref<1x96xi32, #tpu.memory_space<vmem>>
    %dma_wait3A_63 = tpu.memref_squeeze %dma_wait3A_62 : memref<1x96xi32, #tpu.memory_space<vmem>> -> memref<96xi32, #tpu.memory_space<vmem>>
    %dma_wait3A_64 = arith.constant 0 : i32
    %dma_wait3A_65 = arith.constant 0 : i32
    %dma_wait3A_66 = tpu.memref_slice %arg3[%dma_wait3A_64, %dma_wait3A_65] : memref<8192x128xf32, #tpu.memory_space<hbm>> -> memref<8192x128xf32, #tpu.memory_space<hbm>>
    tpu.wait_indirect_dma semaphore(%arg7 : memref<!tpu.dma_semaphore, #tpu.memory_space<semaphore_mem>>) src(%dma_wait3A_66 : memref<8192x128xf32, #tpu.memory_space<hbm>>) dst(%dma_wait3A_60 : memref<96x128xf32, #tpu.memory_space<vmem>>)
    %mul3A_67 = arith.constant 288 : i32
    %mul3A_68 = arith.muli %add3A, %mul3A_67 : i32
    %add3A_69 = arith.constant 192 : i32
    %add3A_70 = arith.addi %mul3A_68, %add3A_69 : i32
    "tpu.region"() ({
      %run_scoped3A = tpu.sem_alloc : memref<!tpu.dma_semaphore, #tpu.memory_space<semaphore_mem>>
      %dma_start3A_71 = arith.constant 192 : i32
      %dma_start3A_72 = arith.constant 0 : i32
      %dma_start3A_73 = tpu.memref_slice %arg6[%dma_start3A_71, %dma_start3A_72] : memref<288x128xf32, #tpu.memory_space<vmem>> -> memref<96x128xf32, #tpu.memory_space<vmem>>
      %dma_start3A_74 = arith.constant 0 : i32
      %dma_start3A_75 = tpu.memref_slice %arg4[%add3A_70, %dma_start3A_74] : memref<9216x128xf32, #tpu.memory_space<hbm>> -> memref<96x128xf32, #tpu.memory_space<hbm>>
      %dma_start3A_76 = arith.constant 0 : i32
      %dma_start3A_77 = tpu.memref_slice %arg4[%add3A_70, %dma_start3A_76] : memref<9216x128xf32, #tpu.memory_space<hbm>> -> memref<96x128xf32, #tpu.memory_space<hbm>>
      %dma_start3A_78 = arith.constant 192 : i32
      %dma_start3A_79 = arith.constant 0 : i32
      %dma_start3A_80 = tpu.memref_slice %arg6[%dma_start3A_78, %dma_start3A_79] : memref<288x128xf32, #tpu.memory_space<vmem>> -> memref<96x128xf32, #tpu.memory_space<vmem>>
      tpu.enqueue_dma source(%dma_start3A_80 : memref<96x128xf32, #tpu.memory_space<vmem>>) target(%dma_start3A_77 : memref<96x128xf32, #tpu.memory_space<hbm>>) target_semaphore(%run_scoped3A : memref<!tpu.dma_semaphore, #tpu.memory_space<semaphore_mem>>)
      %dma_wait3A_81 = arith.constant 192 : i32
      %dma_wait3A_82 = arith.constant 0 : i32
      %dma_wait3A_83 = tpu.memref_slice %arg6[%dma_wait3A_81, %dma_wait3A_82] : memref<288x128xf32, #tpu.memory_space<vmem>> -> memref<96x128xf32, #tpu.memory_space<vmem>>
      %dma_wait3A_84 = arith.constant 0 : i32
      %dma_wait3A_85 = tpu.memref_slice %arg4[%add3A_70, %dma_wait3A_84] : memref<9216x128xf32, #tpu.memory_space<hbm>> -> memref<96x128xf32, #tpu.memory_space<hbm>>
      %dma_wait3A_86 = arith.constant 0 : i32
      %dma_wait3A_87 = tpu.memref_slice %arg4[%add3A_70, %dma_wait3A_86] : memref<9216x128xf32, #tpu.memory_space<hbm>> -> memref<96x128xf32, #tpu.memory_space<hbm>>
      %dma_wait3A_88 = arith.constant 192 : i32
      %dma_wait3A_89 = arith.constant 0 : i32
      %dma_wait3A_90 = tpu.memref_slice %arg6[%dma_wait3A_88, %dma_wait3A_89] : memref<288x128xf32, #tpu.memory_space<vmem>> -> memref<96x128xf32, #tpu.memory_space<vmem>>
      tpu.wait_dma2 semaphore(%run_scoped3A : memref<!tpu.dma_semaphore, #tpu.memory_space<semaphore_mem>>) src(%dma_wait3A_90 : memref<96x128xf32, #tpu.memory_space<vmem>>) dst(%dma_wait3A_87 : memref<96x128xf32, #tpu.memory_space<hbm>>)
      tpu.yield
    }) : () -> ()
    return
  }
}

module attributes {stable_mosaic.version = 14 : i64} {
  func.func @_encode_body(%arg0: i32, %arg1: memref<1x768x576xf32, #tpu.memory_space<vmem>>, %arg2: memref<64x768xf32, #tpu.memory_space<vmem>>, %arg3: memref<1x64xf32, #tpu.memory_space<vmem>>, %arg4: memref<65x8192xf32, #tpu.memory_space<vmem>>, %arg5: memref<1x64x576xf32, #tpu.memory_space<vmem>>, %arg6: memref<1x1x576xi32, #tpu.memory_space<vmem>>) attributes {dimension_semantics = [#tpu.dimension_semantics<arbitrary>], iteration_bounds = array<i64: 16>, scalar_prefetch = 0 : i64, scratch_operands = 0 : i64, tpu.core_type = #tpu.core_type<tc>, window_params = [{transform_indices = @transform_0, window_bounds = array<i64: 1, 768, 576>}, {pipeline_mode = #tpu.pipeline_mode<synchronous>, transform_indices = @transform_1, window_bounds = array<i64: 64, 768>}, {pipeline_mode = #tpu.pipeline_mode<synchronous>, transform_indices = @transform_2, window_bounds = array<i64: 1, 64>}, {pipeline_mode = #tpu.pipeline_mode<synchronous>, transform_indices = @transform_3, window_bounds = array<i64: 65, 8192>}, {transform_indices = @transform_4, window_bounds = array<i64: 1, 64, 576>}, {transform_indices = @transform_5, window_bounds = array<i64: 1, 1, 576>}]} {
    %get3A = arith.constant 0 : index
    %get3A_0 = arith.constant 0 : index
    %get3A_1 = arith.constant 0 : index
    %get3A_2 = vector.load %arg1[%get3A, %get3A_0, %get3A_1] : memref<1x768x576xf32, #tpu.memory_space<vmem>>, vector<1x768x576xf32>
    %get3A_3 = vector.shape_cast %get3A_2 : vector<1x768x576xf32> to vector<768x576xf32>
    %get3A_4 = arith.constant 0 : index
    %get3A_5 = arith.constant 0 : index
    %get3A_6 = vector.load %arg2[%get3A_4, %get3A_5] : memref<64x768xf32, #tpu.memory_space<vmem>>, vector<64x768xf32>
    %dot_general3A = arith.constant dense<0.000000e+00> : vector<576x64xf32>
    %dot_general3A_7 = tpu.matmul %get3A_3, %get3A_6, %dot_general3A {dimension_numbers = #tpu.dot_dimension_numbers<[0], [1], [1], [0], [0, 1, 1, 0], [], []>, transpose_lhs_hint = false} : vector<768x576xf32>, vector<64x768xf32>, vector<576x64xf32> -> vector<576x64xf32>
    %get3A_8 = arith.constant 0 : index
    %get3A_9 = arith.constant 0 : index
    %get3A_10 = vector.load %arg3[%get3A_8, %get3A_9] : memref<1x64xf32, #tpu.memory_space<vmem>>, vector<1x64xf32>
    %add3A = vector.broadcast %get3A_10 : vector<1x64xf32> to vector<576x64xf32>
    %add3A_11 = arith.addf %dot_general3A_7, %add3A : vector<576x64xf32>
    %transpose3A = tpu.transpose %add3A_11, [1, 0] : vector<576x64xf32> -> vector<64x576xf32>
    %swap3A = arith.constant 0 : index
    %swap3A_12 = arith.constant 0 : index
    %swap3A_13 = arith.constant 0 : index
    %swap3A_14 = vector.load %arg5[%swap3A, %swap3A_12, %swap3A_13] : memref<1x64x576xf32, #tpu.memory_space<vmem>>, vector<1x64x576xf32>
    %swap3A_15 = vector.shape_cast %swap3A_14 : vector<1x64x576xf32> to vector<64x576xf32>
    %swap3A_16 = vector.shape_cast %transpose3A : vector<64x576xf32> to vector<1x64x576xf32>
    tpu.vector_store %arg5[%swap3A, %swap3A_12, %swap3A_13], %swap3A_16 {strides = array<i32>} : memref<1x64x576xf32, #tpu.memory_space<vmem>>, vector<1x64x576xf32>,
    %mul3A = arith.mulf %add3A_11, %add3A_11 : vector<576x64xf32>
    %reduce_sum3A = arith.constant dense<0.000000e+00> : vector<576xf32>
    %reduce_sum3A_17 = vector.multi_reduction <add>, %mul3A, %reduce_sum3A [1] : vector<576x64xf32> to vector<576xf32>
    %broadcast_in_dim3A = vector.shape_cast %reduce_sum3A_17 : vector<576xf32> to vector<576x1xf32>
    %sqrt3A = math.sqrt %broadcast_in_dim3A : vector<576x1xf32>
    %max3A = arith.constant 9.99999996E-13 : f32
    %max3A_18 = vector.broadcast %max3A : f32 to vector<576x1xf32>
    %max3A_19 = arith.maximumf %sqrt3A, %max3A_18 : vector<576x1xf32>
    %div3A = vector.broadcast %max3A_19 : vector<576x1xf32> to vector<576x64xf32>
    %div3A_20 = arith.divf %add3A_11, %div3A : vector<576x64xf32>
    %broadcast_in_dim3A_21 = arith.constant 1.000000e+00 : f32
    %broadcast_in_dim3A_22 = vector.broadcast %broadcast_in_dim3A_21 : f32 to vector<576x1xf32>
    %concatenate3A = tpu.concatenate %div3A_20, %broadcast_in_dim3A_22 in 1 : vector<576x64xf32>, vector<576x1xf32> -> vector<576x65xf32>
    %get3A_23 = arith.constant 0 : index
    %get3A_24 = arith.constant 0 : index
    %get3A_25 = vector.load %arg4[%get3A_23, %get3A_24] : memref<65x8192xf32, #tpu.memory_space<vmem>>, vector<65x256xf32>
    %dot_general3A_26 = arith.constant dense<0.000000e+00> : vector<576x256xf32>
    %dot_general3A_27 = tpu.matmul %concatenate3A, %get3A_25, %dot_general3A_26 {dimension_numbers = #tpu.dot_dimension_numbers<[1], [0], [0], [1], [0, 0, 1, 1], [], []>, transpose_lhs_hint = false} : vector<576x65xf32>, vector<65x256xf32>, vector<576x256xf32> -> vector<576x256xf32>
    %slice3A = vector.extract_strided_slice %dot_general3A_27 {offsets = [0, 0], sizes = [576, 128], strides = [1, 1]} : vector<576x256xf32> to vector<576x128xf32>
    %slice3A_28 = vector.extract_strided_slice %dot_general3A_27 {offsets = [0, 128], sizes = [576, 128], strides = [1, 1]} : vector<576x256xf32> to vector<576x128xf32>
    %gt3A = arith.cmpf ogt, %slice3A_28, %slice3A : vector<576x128xf32>
    %max3A_29 = arith.maximumf %slice3A, %slice3A_28 : vector<576x128xf32>
    %jit3A = arith.constant 1 : i32
    %jit3A_30 = arith.constant 0 : i32
    %broadcast_in_dim3A_31 = vector.broadcast %jit3A : i32 to vector<576x128xi32>
    %broadcast_in_dim3A_32 = vector.broadcast %jit3A_30 : i32 to vector<576x128xi32>
    %select_n3A = arith.select %gt3A, %broadcast_in_dim3A_31, %broadcast_in_dim3A_32 : vector<576x128xi1>, vector<576x128xi32>
    %get3A_33 = arith.constant 0 : index
    %get3A_34 = arith.constant 256 : index
    %get3A_35 = vector.load %arg4[%get3A_33, %get3A_34] : memref<65x8192xf32, #tpu.memory_space<vmem>>, vector<65x256xf32>
    %dot_general3A_36 = arith.constant dense<0.000000e+00> : vector<576x256xf32>
    %dot_general3A_37 = tpu.matmul %concatenate3A, %get3A_35, %dot_general3A_36 {dimension_numbers = #tpu.dot_dimension_numbers<[1], [0], [0], [1], [0, 0, 1, 1], [], []>, transpose_lhs_hint = false} : vector<576x65xf32>, vector<65x256xf32>, vector<576x256xf32> -> vector<576x256xf32>
    %slice3A_38 = vector.extract_strided_slice %dot_general3A_37 {offsets = [0, 0], sizes = [576, 128], strides = [1, 1]} : vector<576x256xf32> to vector<576x128xf32>
    %slice3A_39 = vector.extract_strided_slice %dot_general3A_37 {offsets = [0, 128], sizes = [576, 128], strides = [1, 1]} : vector<576x256xf32> to vector<576x128xf32>
    %gt3A_40 = arith.cmpf ogt, %slice3A_39, %slice3A_38 : vector<576x128xf32>
    %max3A_41 = arith.maximumf %slice3A_38, %slice3A_39 : vector<576x128xf32>
    %jit3A_42 = arith.constant 3 : i32
    %jit3A_43 = arith.constant 2 : i32
    %broadcast_in_dim3A_44 = vector.broadcast %jit3A_42 : i32 to vector<576x128xi32>
    %broadcast_in_dim3A_45 = vector.broadcast %jit3A_43 : i32 to vector<576x128xi32>
    %select_n3A_46 = arith.select %gt3A_40, %broadcast_in_dim3A_44, %broadcast_in_dim3A_45 : vector<576x128xi1>, vector<576x128xi32>
    %gt3A_47 = arith.cmpf ogt, %max3A_41, %max3A_29 : vector<576x128xf32>
    %max3A_48 = arith.maximumf %max3A_41, %max3A_29 : vector<576x128xf32>
    %select_n3A_49 = arith.select %gt3A_47, %select_n3A_46, %select_n3A : vector<576x128xi1>, vector<576x128xi32>
    %get3A_50 = arith.constant 0 : index
    %get3A_51 = arith.constant 512 : index
    %get3A_52 = vector.load %arg4[%get3A_50, %get3A_51] : memref<65x8192xf32, #tpu.memory_space<vmem>>, vector<65x256xf32>
    %dot_general3A_53 = arith.constant dense<0.000000e+00> : vector<576x256xf32>
    %dot_general3A_54 = tpu.matmul %concatenate3A, %get3A_52, %dot_general3A_53 {dimension_numbers = #tpu.dot_dimension_numbers<[1], [0], [0], [1], [0, 0, 1, 1], [], []>, transpose_lhs_hint = false} : vector<576x65xf32>, vector<65x256xf32>, vector<576x256xf32> -> vector<576x256xf32>
    %slice3A_55 = vector.extract_strided_slice %dot_general3A_54 {offsets = [0, 0], sizes = [576, 128], strides = [1, 1]} : vector<576x256xf32> to vector<576x128xf32>
    %slice3A_56 = vector.extract_strided_slice %dot_general3A_54 {offsets = [0, 128], sizes = [576, 128], strides = [1, 1]} : vector<576x256xf32> to vector<576x128xf32>
    %gt3A_57 = arith.cmpf ogt, %slice3A_56, %slice3A_55 : vector<576x128xf32>
    %max3A_58 = arith.maximumf %slice3A_55, %slice3A_56 : vector<576x128xf32>
    %jit3A_59 = arith.constant 5 : i32
    %jit3A_60 = arith.constant 4 : i32
    %broadcast_in_dim3A_61 = vector.broadcast %jit3A_59 : i32 to vector<576x128xi32>
    %broadcast_in_dim3A_62 = vector.broadcast %jit3A_60 : i32 to vector<576x128xi32>
    %select_n3A_63 = arith.select %gt3A_57, %broadcast_in_dim3A_61, %broadcast_in_dim3A_62 : vector<576x128xi1>, vector<576x128xi32>
    %gt3A_64 = arith.cmpf ogt, %max3A_58, %max3A_48 : vector<576x128xf32>
    %max3A_65 = arith.maximumf %max3A_58, %max3A_48 : vector<576x128xf32>
    %select_n3A_66 = arith.select %gt3A_64, %select_n3A_63, %select_n3A_49 : vector<576x128xi1>, vector<576x128xi32>
    %get3A_67 = arith.constant 0 : index
    %get3A_68 = arith.constant 768 : index
    %get3A_69 = vector.load %arg4[%get3A_67, %get3A_68] : memref<65x8192xf32, #tpu.memory_space<vmem>>, vector<65x256xf32>
    %dot_general3A_70 = arith.constant dense<0.000000e+00> : vector<576x256xf32>
    %dot_general3A_71 = tpu.matmul %concatenate3A, %get3A_69, %dot_general3A_70 {dimension_numbers = #tpu.dot_dimension_numbers<[1], [0], [0], [1], [0, 0, 1, 1], [], []>, transpose_lhs_hint = false} : vector<576x65xf32>, vector<65x256xf32>, vector<576x256xf32> -> vector<576x256xf32>
    %slice3A_72 = vector.extract_strided_slice %dot_general3A_71 {offsets = [0, 0], sizes = [576, 128], strides = [1, 1]} : vector<576x256xf32> to vector<576x128xf32>
    %slice3A_73 = vector.extract_strided_slice %dot_general3A_71 {offsets = [0, 128], sizes = [576, 128], strides = [1, 1]} : vector<576x256xf32> to vector<576x128xf32>
    %gt3A_74 = arith.cmpf ogt, %slice3A_73, %slice3A_72 : vector<576x128xf32>
    %max3A_75 = arith.maximumf %slice3A_72, %slice3A_73 : vector<576x128xf32>
    %jit3A_76 = arith.constant 7 : i32
    %jit3A_77 = arith.constant 6 : i32
    %broadcast_in_dim3A_78 = vector.broadcast %jit3A_76 : i32 to vector<576x128xi32>
    %broadcast_in_dim3A_79 = vector.broadcast %jit3A_77 : i32 to vector<576x128xi32>
    %select_n3A_80 = arith.select %gt3A_74, %broadcast_in_dim3A_78, %broadcast_in_dim3A_79 : vector<576x128xi1>, vector<576x128xi32>
    %gt3A_81 = arith.cmpf ogt, %max3A_75, %max3A_65 : vector<576x128xf32>
    %max3A_82 = arith.maximumf %max3A_75, %max3A_65 : vector<576x128xf32>
    %select_n3A_83 = arith.select %gt3A_81, %select_n3A_80, %select_n3A_66 : vector<576x128xi1>, vector<576x128xi32>
    %get3A_84 = arith.constant 0 : index
    %get3A_85 = arith.constant 1024 : index
    %get3A_86 = vector.load %arg4[%get3A_84, %get3A_85] : memref<65x8192xf32, #tpu.memory_space<vmem>>, vector<65x256xf32>
    %dot_general3A_87 = arith.constant dense<0.000000e+00> : vector<576x256xf32>
    %dot_general3A_88 = tpu.matmul %concatenate3A, %get3A_86, %dot_general3A_87 {dimension_numbers = #tpu.dot_dimension_numbers<[1], [0], [0], [1], [0, 0, 1, 1], [], []>, transpose_lhs_hint = false} : vector<576x65xf32>, vector<65x256xf32>, vector<576x256xf32> -> vector<576x256xf32>
    %slice3A_89 = vector.extract_strided_slice %dot_general3A_88 {offsets = [0, 0], sizes = [576, 128], strides = [1, 1]} : vector<576x256xf32> to vector<576x128xf32>
    %slice3A_90 = vector.extract_strided_slice %dot_general3A_88 {offsets = [0, 128], sizes = [576, 128], strides = [1, 1]} : vector<576x256xf32> to vector<576x128xf32>
    %gt3A_91 = arith.cmpf ogt, %slice3A_90, %slice3A_89 : vector<576x128xf32>
    %max3A_92 = arith.maximumf %slice3A_89, %slice3A_90 : vector<576x128xf32>
    %jit3A_93 = arith.constant 9 : i32
    %jit3A_94 = arith.constant 8 : i32
    %broadcast_in_dim3A_95 = vector.broadcast %jit3A_93 : i32 to vector<576x128xi32>
    %broadcast_in_dim3A_96 = vector.broadcast %jit3A_94 : i32 to vector<576x128xi32>
    %select_n3A_97 = arith.select %gt3A_91, %broadcast_in_dim3A_95, %broadcast_in_dim3A_96 : vector<576x128xi1>, vector<576x128xi32>
    %gt3A_98 = arith.cmpf ogt, %max3A_92, %max3A_82 : vector<576x128xf32>
    %max3A_99 = arith.maximumf %max3A_92, %max3A_82 : vector<576x128xf32>
    %select_n3A_100 = arith.select %gt3A_98, %select_n3A_97, %select_n3A_83 : vector<576x128xi1>, vector<576x128xi32>
    %get3A_101 = arith.constant 0 : index
    %get3A_102 = arith.constant 1280 : index
    %get3A_103 = vector.load %arg4[%get3A_101, %get3A_102] : memref<65x8192xf32, #tpu.memory_space<vmem>>, vector<65x256xf32>
    %dot_general3A_104 = arith.constant dense<0.000000e+00> : vector<576x256xf32>
    %dot_general3A_105 = tpu.matmul %concatenate3A, %get3A_103, %dot_general3A_104 {dimension_numbers = #tpu.dot_dimension_numbers<[1], [0], [0], [1], [0, 0, 1, 1], [], []>, transpose_lhs_hint = false} : vector<576x65xf32>, vector<65x256xf32>, vector<576x256xf32> -> vector<576x256xf32>
    %slice3A_106 = vector.extract_strided_slice %dot_general3A_105 {offsets = [0, 0], sizes = [576, 128], strides = [1, 1]} : vector<576x256xf32> to vector<576x128xf32>
    %slice3A_107 = vector.extract_strided_slice %dot_general3A_105 {offsets = [0, 128], sizes = [576, 128], strides = [1, 1]} : vector<576x256xf32> to vector<576x128xf32>
    %gt3A_108 = arith.cmpf ogt, %slice3A_107, %slice3A_106 : vector<576x128xf32>
    %max3A_109 = arith.maximumf %slice3A_106, %slice3A_107 : vector<576x128xf32>
    %jit3A_110 = arith.constant 11 : i32
    %jit3A_111 = arith.constant 10 : i32
    %broadcast_in_dim3A_112 = vector.broadcast %jit3A_110 : i32 to vector<576x128xi32>
    %broadcast_in_dim3A_113 = vector.broadcast %jit3A_111 : i32 to vector<576x128xi32>
    %select_n3A_114 = arith.select %gt3A_108, %broadcast_in_dim3A_112, %broadcast_in_dim3A_113 : vector<576x128xi1>, vector<576x128xi32>
    %gt3A_115 = arith.cmpf ogt, %max3A_109, %max3A_99 : vector<576x128xf32>
    %max3A_116 = arith.maximumf %max3A_109, %max3A_99 : vector<576x128xf32>
    %select_n3A_117 = arith.select %gt3A_115, %select_n3A_114, %select_n3A_100 : vector<576x128xi1>, vector<576x128xi32>
    %get3A_118 = arith.constant 0 : index
    %get3A_119 = arith.constant 1536 : index
    %get3A_120 = vector.load %arg4[%get3A_118, %get3A_119] : memref<65x8192xf32, #tpu.memory_space<vmem>>, vector<65x256xf32>
    %dot_general3A_121 = arith.constant dense<0.000000e+00> : vector<576x256xf32>
    %dot_general3A_122 = tpu.matmul %concatenate3A, %get3A_120, %dot_general3A_121 {dimension_numbers = #tpu.dot_dimension_numbers<[1], [0], [0], [1], [0, 0, 1, 1], [], []>, transpose_lhs_hint = false} : vector<576x65xf32>, vector<65x256xf32>, vector<576x256xf32> -> vector<576x256xf32>
    %slice3A_123 = vector.extract_strided_slice %dot_general3A_122 {offsets = [0, 0], sizes = [576, 128], strides = [1, 1]} : vector<576x256xf32> to vector<576x128xf32>
    %slice3A_124 = vector.extract_strided_slice %dot_general3A_122 {offsets = [0, 128], sizes = [576, 128], strides = [1, 1]} : vector<576x256xf32> to vector<576x128xf32>
    %gt3A_125 = arith.cmpf ogt, %slice3A_124, %slice3A_123 : vector<576x128xf32>
    %max3A_126 = arith.maximumf %slice3A_123, %slice3A_124 : vector<576x128xf32>
    %jit3A_127 = arith.constant 13 : i32
    %jit3A_128 = arith.constant 12 : i32
    %broadcast_in_dim3A_129 = vector.broadcast %jit3A_127 : i32 to vector<576x128xi32>
    %broadcast_in_dim3A_130 = vector.broadcast %jit3A_128 : i32 to vector<576x128xi32>
    %select_n3A_131 = arith.select %gt3A_125, %broadcast_in_dim3A_129, %broadcast_in_dim3A_130 : vector<576x128xi1>, vector<576x128xi32>
    %gt3A_132 = arith.cmpf ogt, %max3A_126, %max3A_116 : vector<576x128xf32>
    %max3A_133 = arith.maximumf %max3A_126, %max3A_116 : vector<576x128xf32>
    %select_n3A_134 = arith.select %gt3A_132, %select_n3A_131, %select_n3A_117 : vector<576x128xi1>, vector<576x128xi32>
    %get3A_135 = arith.constant 0 : index
    %get3A_136 = arith.constant 1792 : index
    %get3A_137 = vector.load %arg4[%get3A_135, %get3A_136] : memref<65x8192xf32, #tpu.memory_space<vmem>>, vector<65x256xf32>
    %dot_general3A_138 = arith.constant dense<0.000000e+00> : vector<576x256xf32>
    %dot_general3A_139 = tpu.matmul %concatenate3A, %get3A_137, %dot_general3A_138 {dimension_numbers = #tpu.dot_dimension_numbers<[1], [0], [0], [1], [0, 0, 1, 1], [], []>, transpose_lhs_hint = false} : vector<576x65xf32>, vector<65x256xf32>, vector<576x256xf32> -> vector<576x256xf32>
    %slice3A_140 = vector.extract_strided_slice %dot_general3A_139 {offsets = [0, 0], sizes = [576, 128], strides = [1, 1]} : vector<576x256xf32> to vector<576x128xf32>
    %slice3A_141 = vector.extract_strided_slice %dot_general3A_139 {offsets = [0, 128], sizes = [576, 128], strides = [1, 1]} : vector<576x256xf32> to vector<576x128xf32>
    %gt3A_142 = arith.cmpf ogt, %slice3A_141, %slice3A_140 : vector<576x128xf32>
    %max3A_143 = arith.maximumf %slice3A_140, %slice3A_141 : vector<576x128xf32>
    %jit3A_144 = arith.constant 15 : i32
    %jit3A_145 = arith.constant 14 : i32
    %broadcast_in_dim3A_146 = vector.broadcast %jit3A_144 : i32 to vector<576x128xi32>
    %broadcast_in_dim3A_147 = vector.broadcast %jit3A_145 : i32 to vector<576x128xi32>
    %select_n3A_148 = arith.select %gt3A_142, %broadcast_in_dim3A_146, %broadcast_in_dim3A_147 : vector<576x128xi1>, vector<576x128xi32>
    %gt3A_149 = arith.cmpf ogt, %max3A_143, %max3A_133 : vector<576x128xf32>
    %max3A_150 = arith.maximumf %max3A_143, %max3A_133 : vector<576x128xf32>
    %select_n3A_151 = arith.select %gt3A_149, %select_n3A_148, %select_n3A_134 : vector<576x128xi1>, vector<576x128xi32>
    %get3A_152 = arith.constant 0 : index
    %get3A_153 = arith.constant 2048 : index
    %get3A_154 = vector.load %arg4[%get3A_152, %get3A_153] : memref<65x8192xf32, #tpu.memory_space<vmem>>, vector<65x256xf32>
    %dot_general3A_155 = arith.constant dense<0.000000e+00> : vector<576x256xf32>
    %dot_general3A_156 = tpu.matmul %concatenate3A, %get3A_154, %dot_general3A_155 {dimension_numbers = #tpu.dot_dimension_numbers<[1], [0], [0], [1], [0, 0, 1, 1], [], []>, transpose_lhs_hint = false} : vector<576x65xf32>, vector<65x256xf32>, vector<576x256xf32> -> vector<576x256xf32>
    %slice3A_157 = vector.extract_strided_slice %dot_general3A_156 {offsets = [0, 0], sizes = [576, 128], strides = [1, 1]} : vector<576x256xf32> to vector<576x128xf32>
    %slice3A_158 = vector.extract_strided_slice %dot_general3A_156 {offsets = [0, 128], sizes = [576, 128], strides = [1, 1]} : vector<576x256xf32> to vector<576x128xf32>
    %gt3A_159 = arith.cmpf ogt, %slice3A_158, %slice3A_157 : vector<576x128xf32>
    %max3A_160 = arith.maximumf %slice3A_157, %slice3A_158 : vector<576x128xf32>
    %jit3A_161 = arith.constant 17 : i32
    %jit3A_162 = arith.constant 16 : i32
    %broadcast_in_dim3A_163 = vector.broadcast %jit3A_161 : i32 to vector<576x128xi32>
    %broadcast_in_dim3A_164 = vector.broadcast %jit3A_162 : i32 to vector<576x128xi32>
    %select_n3A_165 = arith.select %gt3A_159, %broadcast_in_dim3A_163, %broadcast_in_dim3A_164 : vector<576x128xi1>, vector<576x128xi32>
    %gt3A_166 = arith.cmpf ogt, %max3A_160, %max3A_150 : vector<576x128xf32>
    %max3A_167 = arith.maximumf %max3A_160, %max3A_150 : vector<576x128xf32>
    %select_n3A_168 = arith.select %gt3A_166, %select_n3A_165, %select_n3A_151 : vector<576x128xi1>, vector<576x128xi32>
    %get3A_169 = arith.constant 0 : index
    %get3A_170 = arith.constant 2304 : index
    %get3A_171 = vector.load %arg4[%get3A_169, %get3A_170] : memref<65x8192xf32, #tpu.memory_space<vmem>>, vector<65x256xf32>
    %dot_general3A_172 = arith.constant dense<0.000000e+00> : vector<576x256xf32>
    %dot_general3A_173 = tpu.matmul %concatenate3A, %get3A_171, %dot_general3A_172 {dimension_numbers = #tpu.dot_dimension_numbers<[1], [0], [0], [1], [0, 0, 1, 1], [], []>, transpose_lhs_hint = false} : vector<576x65xf32>, vector<65x256xf32>, vector<576x256xf32> -> vector<576x256xf32>
    %slice3A_174 = vector.extract_strided_slice %dot_general3A_173 {offsets = [0, 0], sizes = [576, 128], strides = [1, 1]} : vector<576x256xf32> to vector<576x128xf32>
    %slice3A_175 = vector.extract_strided_slice %dot_general3A_173 {offsets = [0, 128], sizes = [576, 128], strides = [1, 1]} : vector<576x256xf32> to vector<576x128xf32>
    %gt3A_176 = arith.cmpf ogt, %slice3A_175, %slice3A_174 : vector<576x128xf32>
    %max3A_177 = arith.maximumf %slice3A_174, %slice3A_175 : vector<576x128xf32>
    %jit3A_178 = arith.constant 19 : i32
    %jit3A_179 = arith.constant 18 : i32
    %broadcast_in_dim3A_180 = vector.broadcast %jit3A_178 : i32 to vector<576x128xi32>
    %broadcast_in_dim3A_181 = vector.broadcast %jit3A_179 : i32 to vector<576x128xi32>
    %select_n3A_182 = arith.select %gt3A_176, %broadcast_in_dim3A_180, %broadcast_in_dim3A_181 : vector<576x128xi1>, vector<576x128xi32>
    %gt3A_183 = arith.cmpf ogt, %max3A_177, %max3A_167 : vector<576x128xf32>
    %max3A_184 = arith.maximumf %max3A_177, %max3A_167 : vector<576x128xf32>
    %select_n3A_185 = arith.select %gt3A_183, %select_n3A_182, %select_n3A_168 : vector<576x128xi1>, vector<576x128xi32>
    %get3A_186 = arith.constant 0 : index
    %get3A_187 = arith.constant 2560 : index
    %get3A_188 = vector.load %arg4[%get3A_186, %get3A_187] : memref<65x8192xf32, #tpu.memory_space<vmem>>, vector<65x256xf32>
    %dot_general3A_189 = arith.constant dense<0.000000e+00> : vector<576x256xf32>
    %dot_general3A_190 = tpu.matmul %concatenate3A, %get3A_188, %dot_general3A_189 {dimension_numbers = #tpu.dot_dimension_numbers<[1], [0], [0], [1], [0, 0, 1, 1], [], []>, transpose_lhs_hint = false} : vector<576x65xf32>, vector<65x256xf32>, vector<576x256xf32> -> vector<576x256xf32>
    %slice3A_191 = vector.extract_strided_slice %dot_general3A_190 {offsets = [0, 0], sizes = [576, 128], strides = [1, 1]} : vector<576x256xf32> to vector<576x128xf32>
    %slice3A_192 = vector.extract_strided_slice %dot_general3A_190 {offsets = [0, 128], sizes = [576, 128], strides = [1, 1]} : vector<576x256xf32> to vector<576x128xf32>
    %gt3A_193 = arith.cmpf ogt, %slice3A_192, %slice3A_191 : vector<576x128xf32>
    %max3A_194 = arith.maximumf %slice3A_191, %slice3A_192 : vector<576x128xf32>
    %jit3A_195 = arith.constant 21 : i32
    %jit3A_196 = arith.constant 20 : i32
    %broadcast_in_dim3A_197 = vector.broadcast %jit3A_195 : i32 to vector<576x128xi32>
    %broadcast_in_dim3A_198 = vector.broadcast %jit3A_196 : i32 to vector<576x128xi32>
    %select_n3A_199 = arith.select %gt3A_193, %broadcast_in_dim3A_197, %broadcast_in_dim3A_198 : vector<576x128xi1>, vector<576x128xi32>
    %gt3A_200 = arith.cmpf ogt, %max3A_194, %max3A_184 : vector<576x128xf32>
    %max3A_201 = arith.maximumf %max3A_194, %max3A_184 : vector<576x128xf32>
    %select_n3A_202 = arith.select %gt3A_200, %select_n3A_199, %select_n3A_185 : vector<576x128xi1>, vector<576x128xi32>
    %get3A_203 = arith.constant 0 : index
    %get3A_204 = arith.constant 2816 : index
    %get3A_205 = vector.load %arg4[%get3A_203, %get3A_204] : memref<65x8192xf32, #tpu.memory_space<vmem>>, vector<65x256xf32>
    %dot_general3A_206 = arith.constant dense<0.000000e+00> : vector<576x256xf32>
    %dot_general3A_207 = tpu.matmul %concatenate3A, %get3A_205, %dot_general3A_206 {dimension_numbers = #tpu.dot_dimension_numbers<[1], [0], [0], [1], [0, 0, 1, 1], [], []>, transpose_lhs_hint = false} : vector<576x65xf32>, vector<65x256xf32>, vector<576x256xf32> -> vector<576x256xf32>
    %slice3A_208 = vector.extract_strided_slice %dot_general3A_207 {offsets = [0, 0], sizes = [576, 128], strides = [1, 1]} : vector<576x256xf32> to vector<576x128xf32>
    %slice3A_209 = vector.extract_strided_slice %dot_general3A_207 {offsets = [0, 128], sizes = [576, 128], strides = [1, 1]} : vector<576x256xf32> to vector<576x128xf32>
    %gt3A_210 = arith.cmpf ogt, %slice3A_209, %slice3A_208 : vector<576x128xf32>
    %max3A_211 = arith.maximumf %slice3A_208, %slice3A_209 : vector<576x128xf32>
    %jit3A_212 = arith.constant 23 : i32
    %jit3A_213 = arith.constant 22 : i32
    %broadcast_in_dim3A_214 = vector.broadcast %jit3A_212 : i32 to vector<576x128xi32>
    %broadcast_in_dim3A_215 = vector.broadcast %jit3A_213 : i32 to vector<576x128xi32>
    %select_n3A_216 = arith.select %gt3A_210, %broadcast_in_dim3A_214, %broadcast_in_dim3A_215 : vector<576x128xi1>, vector<576x128xi32>
    %gt3A_217 = arith.cmpf ogt, %max3A_211, %max3A_201 : vector<576x128xf32>
    %max3A_218 = arith.maximumf %max3A_211, %max3A_201 : vector<576x128xf32>
    %select_n3A_219 = arith.select %gt3A_217, %select_n3A_216, %select_n3A_202 : vector<576x128xi1>, vector<576x128xi32>
    %get3A_220 = arith.constant 0 : index
    %get3A_221 = arith.constant 3072 : index
    %get3A_222 = vector.load %arg4[%get3A_220, %get3A_221] : memref<65x8192xf32, #tpu.memory_space<vmem>>, vector<65x256xf32>
    %dot_general3A_223 = arith.constant dense<0.000000e+00> : vector<576x256xf32>
    %dot_general3A_224 = tpu.matmul %concatenate3A, %get3A_222, %dot_general3A_223 {dimension_numbers = #tpu.dot_dimension_numbers<[1], [0], [0], [1], [0, 0, 1, 1], [], []>, transpose_lhs_hint = false} : vector<576x65xf32>, vector<65x256xf32>, vector<576x256xf32> -> vector<576x256xf32>
    %slice3A_225 = vector.extract_strided_slice %dot_general3A_224 {offsets = [0, 0], sizes = [576, 128], strides = [1, 1]} : vector<576x256xf32> to vector<576x128xf32>
    %slice3A_226 = vector.extract_strided_slice %dot_general3A_224 {offsets = [0, 128], sizes = [576, 128], strides = [1, 1]} : vector<576x256xf32> to vector<576x128xf32>
    %gt3A_227 = arith.cmpf ogt, %slice3A_226, %slice3A_225 : vector<576x128xf32>
    %max3A_228 = arith.maximumf %slice3A_225, %slice3A_226 : vector<576x128xf32>
    %jit3A_229 = arith.constant 25 : i32
    %jit3A_230 = arith.constant 24 : i32
    %broadcast_in_dim3A_231 = vector.broadcast %jit3A_229 : i32 to vector<576x128xi32>
    %broadcast_in_dim3A_232 = vector.broadcast %jit3A_230 : i32 to vector<576x128xi32>
    %select_n3A_233 = arith.select %gt3A_227, %broadcast_in_dim3A_231, %broadcast_in_dim3A_232 : vector<576x128xi1>, vector<576x128xi32>
    %gt3A_234 = arith.cmpf ogt, %max3A_228, %max3A_218 : vector<576x128xf32>
    %max3A_235 = arith.maximumf %max3A_228, %max3A_218 : vector<576x128xf32>
    %select_n3A_236 = arith.select %gt3A_234, %select_n3A_233, %select_n3A_219 : vector<576x128xi1>, vector<576x128xi32>
    %get3A_237 = arith.constant 0 : index
    %get3A_238 = arith.constant 3328 : index
    %get3A_239 = vector.load %arg4[%get3A_237, %get3A_238] : memref<65x8192xf32, #tpu.memory_space<vmem>>, vector<65x256xf32>
    %dot_general3A_240 = arith.constant dense<0.000000e+00> : vector<576x256xf32>
    %dot_general3A_241 = tpu.matmul %concatenate3A, %get3A_239, %dot_general3A_240 {dimension_numbers = #tpu.dot_dimension_numbers<[1], [0], [0], [1], [0, 0, 1, 1], [], []>, transpose_lhs_hint = false} : vector<576x65xf32>, vector<65x256xf32>, vector<576x256xf32> -> vector<576x256xf32>
    %slice3A_242 = vector.extract_strided_slice %dot_general3A_241 {offsets = [0, 0], sizes = [576, 128], strides = [1, 1]} : vector<576x256xf32> to vector<576x128xf32>
    %slice3A_243 = vector.extract_strided_slice %dot_general3A_241 {offsets = [0, 128], sizes = [576, 128], strides = [1, 1]} : vector<576x256xf32> to vector<576x128xf32>
    %gt3A_244 = arith.cmpf ogt, %slice3A_243, %slice3A_242 : vector<576x128xf32>
    %max3A_245 = arith.maximumf %slice3A_242, %slice3A_243 : vector<576x128xf32>
    %jit3A_246 = arith.constant 27 : i32
    %jit3A_247 = arith.constant 26 : i32
    %broadcast_in_dim3A_248 = vector.broadcast %jit3A_246 : i32 to vector<576x128xi32>
    %broadcast_in_dim3A_249 = vector.broadcast %jit3A_247 : i32 to vector<576x128xi32>
    %select_n3A_250 = arith.select %gt3A_244, %broadcast_in_dim3A_248, %broadcast_in_dim3A_249 : vector<576x128xi1>, vector<576x128xi32>
    %gt3A_251 = arith.cmpf ogt, %max3A_245, %max3A_235 : vector<576x128xf32>
    %max3A_252 = arith.maximumf %max3A_245, %max3A_235 : vector<576x128xf32>
    %select_n3A_253 = arith.select %gt3A_251, %select_n3A_250, %select_n3A_236 : vector<576x128xi1>, vector<576x128xi32>
    %get3A_254 = arith.constant 0 : index
    %get3A_255 = arith.constant 3584 : index
    %get3A_256 = vector.load %arg4[%get3A_254, %get3A_255] : memref<65x8192xf32, #tpu.memory_space<vmem>>, vector<65x256xf32>
    %dot_general3A_257 = arith.constant dense<0.000000e+00> : vector<576x256xf32>
    %dot_general3A_258 = tpu.matmul %concatenate3A, %get3A_256, %dot_general3A_257 {dimension_numbers = #tpu.dot_dimension_numbers<[1], [0], [0], [1], [0, 0, 1, 1], [], []>, transpose_lhs_hint = false} : vector<576x65xf32>, vector<65x256xf32>, vector<576x256xf32> -> vector<576x256xf32>
    %slice3A_259 = vector.extract_strided_slice %dot_general3A_258 {offsets = [0, 0], sizes = [576, 128], strides = [1, 1]} : vector<576x256xf32> to vector<576x128xf32>
    %slice3A_260 = vector.extract_strided_slice %dot_general3A_258 {offsets = [0, 128], sizes = [576, 128], strides = [1, 1]} : vector<576x256xf32> to vector<576x128xf32>
    %gt3A_261 = arith.cmpf ogt, %slice3A_260, %slice3A_259 : vector<576x128xf32>
    %max3A_262 = arith.maximumf %slice3A_259, %slice3A_260 : vector<576x128xf32>
    %jit3A_263 = arith.constant 29 : i32
    %jit3A_264 = arith.constant 28 : i32
    %broadcast_in_dim3A_265 = vector.broadcast %jit3A_263 : i32 to vector<576x128xi32>
    %broadcast_in_dim3A_266 = vector.broadcast %jit3A_264 : i32 to vector<576x128xi32>
    %select_n3A_267 = arith.select %gt3A_261, %broadcast_in_dim3A_265, %broadcast_in_dim3A_266 : vector<576x128xi1>, vector<576x128xi32>
    %gt3A_268 = arith.cmpf ogt, %max3A_262, %max3A_252 : vector<576x128xf32>
    %max3A_269 = arith.maximumf %max3A_262, %max3A_252 : vector<576x128xf32>
    %select_n3A_270 = arith.select %gt3A_268, %select_n3A_267, %select_n3A_253 : vector<576x128xi1>, vector<576x128xi32>
    %get3A_271 = arith.constant 0 : index
    %get3A_272 = arith.constant 3840 : index
    %get3A_273 = vector.load %arg4[%get3A_271, %get3A_272] : memref<65x8192xf32, #tpu.memory_space<vmem>>, vector<65x256xf32>
    %dot_general3A_274 = arith.constant dense<0.000000e+00> : vector<576x256xf32>
    %dot_general3A_275 = tpu.matmul %concatenate3A, %get3A_273, %dot_general3A_274 {dimension_numbers = #tpu.dot_dimension_numbers<[1], [0], [0], [1], [0, 0, 1, 1], [], []>, transpose_lhs_hint = false} : vector<576x65xf32>, vector<65x256xf32>, vector<576x256xf32> -> vector<576x256xf32>
    %slice3A_276 = vector.extract_strided_slice %dot_general3A_275 {offsets = [0, 0], sizes = [576, 128], strides = [1, 1]} : vector<576x256xf32> to vector<576x128xf32>
    %slice3A_277 = vector.extract_strided_slice %dot_general3A_275 {offsets = [0, 128], sizes = [576, 128], strides = [1, 1]} : vector<576x256xf32> to vector<576x128xf32>
    %gt3A_278 = arith.cmpf ogt, %slice3A_277, %slice3A_276 : vector<576x128xf32>
    %max3A_279 = arith.maximumf %slice3A_276, %slice3A_277 : vector<576x128xf32>
    %jit3A_280 = arith.constant 31 : i32
    %jit3A_281 = arith.constant 30 : i32
    %broadcast_in_dim3A_282 = vector.broadcast %jit3A_280 : i32 to vector<576x128xi32>
    %broadcast_in_dim3A_283 = vector.broadcast %jit3A_281 : i32 to vector<576x128xi32>
    %select_n3A_284 = arith.select %gt3A_278, %broadcast_in_dim3A_282, %broadcast_in_dim3A_283 : vector<576x128xi1>, vector<576x128xi32>
    %gt3A_285 = arith.cmpf ogt, %max3A_279, %max3A_269 : vector<576x128xf32>
    %max3A_286 = arith.maximumf %max3A_279, %max3A_269 : vector<576x128xf32>
    %select_n3A_287 = arith.select %gt3A_285, %select_n3A_284, %select_n3A_270 : vector<576x128xi1>, vector<576x128xi32>
    %get3A_288 = arith.constant 0 : index
    %get3A_289 = arith.constant 4096 : index
    %get3A_290 = vector.load %arg4[%get3A_288, %get3A_289] : memref<65x8192xf32, #tpu.memory_space<vmem>>, vector<65x256xf32>
    %dot_general3A_291 = arith.constant dense<0.000000e+00> : vector<576x256xf32>
    %dot_general3A_292 = tpu.matmul %concatenate3A, %get3A_290, %dot_general3A_291 {dimension_numbers = #tpu.dot_dimension_numbers<[1], [0], [0], [1], [0, 0, 1, 1], [], []>, transpose_lhs_hint = false} : vector<576x65xf32>, vector<65x256xf32>, vector<576x256xf32> -> vector<576x256xf32>
    %slice3A_293 = vector.extract_strided_slice %dot_general3A_292 {offsets = [0, 0], sizes = [576, 128], strides = [1, 1]} : vector<576x256xf32> to vector<576x128xf32>
    %slice3A_294 = vector.extract_strided_slice %dot_general3A_292 {offsets = [0, 128], sizes = [576, 128], strides = [1, 1]} : vector<576x256xf32> to vector<576x128xf32>
    %gt3A_295 = arith.cmpf ogt, %slice3A_294, %slice3A_293 : vector<576x128xf32>
    %max3A_296 = arith.maximumf %slice3A_293, %slice3A_294 : vector<576x128xf32>
    %jit3A_297 = arith.constant 33 : i32
    %jit3A_298 = arith.constant 32 : i32
    %broadcast_in_dim3A_299 = vector.broadcast %jit3A_297 : i32 to vector<576x128xi32>
    %broadcast_in_dim3A_300 = vector.broadcast %jit3A_298 : i32 to vector<576x128xi32>
    %select_n3A_301 = arith.select %gt3A_295, %broadcast_in_dim3A_299, %broadcast_in_dim3A_300 : vector<576x128xi1>, vector<576x128xi32>
    %gt3A_302 = arith.cmpf ogt, %max3A_296, %max3A_286 : vector<576x128xf32>
    %max3A_303 = arith.maximumf %max3A_296, %max3A_286 : vector<576x128xf32>
    %select_n3A_304 = arith.select %gt3A_302, %select_n3A_301, %select_n3A_287 : vector<576x128xi1>, vector<576x128xi32>
    %get3A_305 = arith.constant 0 : index
    %get3A_306 = arith.constant 4352 : index
    %get3A_307 = vector.load %arg4[%get3A_305, %get3A_306] : memref<65x8192xf32, #tpu.memory_space<vmem>>, vector<65x256xf32>
    %dot_general3A_308 = arith.constant dense<0.000000e+00> : vector<576x256xf32>
    %dot_general3A_309 = tpu.matmul %concatenate3A, %get3A_307, %dot_general3A_308 {dimension_numbers = #tpu.dot_dimension_numbers<[1], [0], [0], [1], [0, 0, 1, 1], [], []>, transpose_lhs_hint = false} : vector<576x65xf32>, vector<65x256xf32>, vector<576x256xf32> -> vector<576x256xf32>
    %slice3A_310 = vector.extract_strided_slice %dot_general3A_309 {offsets = [0, 0], sizes = [576, 128], strides = [1, 1]} : vector<576x256xf32> to vector<576x128xf32>
    %slice3A_311 = vector.extract_strided_slice %dot_general3A_309 {offsets = [0, 128], sizes = [576, 128], strides = [1, 1]} : vector<576x256xf32> to vector<576x128xf32>
    %gt3A_312 = arith.cmpf ogt, %slice3A_311, %slice3A_310 : vector<576x128xf32>
    %max3A_313 = arith.maximumf %slice3A_310, %slice3A_311 : vector<576x128xf32>
    %jit3A_314 = arith.constant 35 : i32
    %jit3A_315 = arith.constant 34 : i32
    %broadcast_in_dim3A_316 = vector.broadcast %jit3A_314 : i32 to vector<576x128xi32>
    %broadcast_in_dim3A_317 = vector.broadcast %jit3A_315 : i32 to vector<576x128xi32>
    %select_n3A_318 = arith.select %gt3A_312, %broadcast_in_dim3A_316, %broadcast_in_dim3A_317 : vector<576x128xi1>, vector<576x128xi32>
    %gt3A_319 = arith.cmpf ogt, %max3A_313, %max3A_303 : vector<576x128xf32>
    %max3A_320 = arith.maximumf %max3A_313, %max3A_303 : vector<576x128xf32>
    %select_n3A_321 = arith.select %gt3A_319, %select_n3A_318, %select_n3A_304 : vector<576x128xi1>, vector<576x128xi32>
    %get3A_322 = arith.constant 0 : index
    %get3A_323 = arith.constant 4608 : index
    %get3A_324 = vector.load %arg4[%get3A_322, %get3A_323] : memref<65x8192xf32, #tpu.memory_space<vmem>>, vector<65x256xf32>
    %dot_general3A_325 = arith.constant dense<0.000000e+00> : vector<576x256xf32>
    %dot_general3A_326 = tpu.matmul %concatenate3A, %get3A_324, %dot_general3A_325 {dimension_numbers = #tpu.dot_dimension_numbers<[1], [0], [0], [1], [0, 0, 1, 1], [], []>, transpose_lhs_hint = false} : vector<576x65xf32>, vector<65x256xf32>, vector<576x256xf32> -> vector<576x256xf32>
    %slice3A_327 = vector.extract_strided_slice %dot_general3A_326 {offsets = [0, 0], sizes = [576, 128], strides = [1, 1]} : vector<576x256xf32> to vector<576x128xf32>
    %slice3A_328 = vector.extract_strided_slice %dot_general3A_326 {offsets = [0, 128], sizes = [576, 128], strides = [1, 1]} : vector<576x256xf32> to vector<576x128xf32>
    %gt3A_329 = arith.cmpf ogt, %slice3A_328, %slice3A_327 : vector<576x128xf32>
    %max3A_330 = arith.maximumf %slice3A_327, %slice3A_328 : vector<576x128xf32>
    %jit3A_331 = arith.constant 37 : i32
    %jit3A_332 = arith.constant 36 : i32
    %broadcast_in_dim3A_333 = vector.broadcast %jit3A_331 : i32 to vector<576x128xi32>
    %broadcast_in_dim3A_334 = vector.broadcast %jit3A_332 : i32 to vector<576x128xi32>
    %select_n3A_335 = arith.select %gt3A_329, %broadcast_in_dim3A_333, %broadcast_in_dim3A_334 : vector<576x128xi1>, vector<576x128xi32>
    %gt3A_336 = arith.cmpf ogt, %max3A_330, %max3A_320 : vector<576x128xf32>
    %max3A_337 = arith.maximumf %max3A_330, %max3A_320 : vector<576x128xf32>
    %select_n3A_338 = arith.select %gt3A_336, %select_n3A_335, %select_n3A_321 : vector<576x128xi1>, vector<576x128xi32>
    %get3A_339 = arith.constant 0 : index
    %get3A_340 = arith.constant 4864 : index
    %get3A_341 = vector.load %arg4[%get3A_339, %get3A_340] : memref<65x8192xf32, #tpu.memory_space<vmem>>, vector<65x256xf32>
    %dot_general3A_342 = arith.constant dense<0.000000e+00> : vector<576x256xf32>
    %dot_general3A_343 = tpu.matmul %concatenate3A, %get3A_341, %dot_general3A_342 {dimension_numbers = #tpu.dot_dimension_numbers<[1], [0], [0], [1], [0, 0, 1, 1], [], []>, transpose_lhs_hint = false} : vector<576x65xf32>, vector<65x256xf32>, vector<576x256xf32> -> vector<576x256xf32>
    %slice3A_344 = vector.extract_strided_slice %dot_general3A_343 {offsets = [0, 0], sizes = [576, 128], strides = [1, 1]} : vector<576x256xf32> to vector<576x128xf32>
    %slice3A_345 = vector.extract_strided_slice %dot_general3A_343 {offsets = [0, 128], sizes = [576, 128], strides = [1, 1]} : vector<576x256xf32> to vector<576x128xf32>
    %gt3A_346 = arith.cmpf ogt, %slice3A_345, %slice3A_344 : vector<576x128xf32>
    %max3A_347 = arith.maximumf %slice3A_344, %slice3A_345 : vector<576x128xf32>
    %jit3A_348 = arith.constant 39 : i32
    %jit3A_349 = arith.constant 38 : i32
    %broadcast_in_dim3A_350 = vector.broadcast %jit3A_348 : i32 to vector<576x128xi32>
    %broadcast_in_dim3A_351 = vector.broadcast %jit3A_349 : i32 to vector<576x128xi32>
    %select_n3A_352 = arith.select %gt3A_346, %broadcast_in_dim3A_350, %broadcast_in_dim3A_351 : vector<576x128xi1>, vector<576x128xi32>
    %gt3A_353 = arith.cmpf ogt, %max3A_347, %max3A_337 : vector<576x128xf32>
    %max3A_354 = arith.maximumf %max3A_347, %max3A_337 : vector<576x128xf32>
    %select_n3A_355 = arith.select %gt3A_353, %select_n3A_352, %select_n3A_338 : vector<576x128xi1>, vector<576x128xi32>
    %get3A_356 = arith.constant 0 : index
    %get3A_357 = arith.constant 5120 : index
    %get3A_358 = vector.load %arg4[%get3A_356, %get3A_357] : memref<65x8192xf32, #tpu.memory_space<vmem>>, vector<65x256xf32>
    %dot_general3A_359 = arith.constant dense<0.000000e+00> : vector<576x256xf32>
    %dot_general3A_360 = tpu.matmul %concatenate3A, %get3A_358, %dot_general3A_359 {dimension_numbers = #tpu.dot_dimension_numbers<[1], [0], [0], [1], [0, 0, 1, 1], [], []>, transpose_lhs_hint = false} : vector<576x65xf32>, vector<65x256xf32>, vector<576x256xf32> -> vector<576x256xf32>
    %slice3A_361 = vector.extract_strided_slice %dot_general3A_360 {offsets = [0, 0], sizes = [576, 128], strides = [1, 1]} : vector<576x256xf32> to vector<576x128xf32>
    %slice3A_362 = vector.extract_strided_slice %dot_general3A_360 {offsets = [0, 128], sizes = [576, 128], strides = [1, 1]} : vector<576x256xf32> to vector<576x128xf32>
    %gt3A_363 = arith.cmpf ogt, %slice3A_362, %slice3A_361 : vector<576x128xf32>
    %max3A_364 = arith.maximumf %slice3A_361, %slice3A_362 : vector<576x128xf32>
    %jit3A_365 = arith.constant 41 : i32
    %jit3A_366 = arith.constant 40 : i32
    %broadcast_in_dim3A_367 = vector.broadcast %jit3A_365 : i32 to vector<576x128xi32>
    %broadcast_in_dim3A_368 = vector.broadcast %jit3A_366 : i32 to vector<576x128xi32>
    %select_n3A_369 = arith.select %gt3A_363, %broadcast_in_dim3A_367, %broadcast_in_dim3A_368 : vector<576x128xi1>, vector<576x128xi32>
    %gt3A_370 = arith.cmpf ogt, %max3A_364, %max3A_354 : vector<576x128xf32>
    %max3A_371 = arith.maximumf %max3A_364, %max3A_354 : vector<576x128xf32>
    %select_n3A_372 = arith.select %gt3A_370, %select_n3A_369, %select_n3A_355 : vector<576x128xi1>, vector<576x128xi32>
    %get3A_373 = arith.constant 0 : index
    %get3A_374 = arith.constant 5376 : index
    %get3A_375 = vector.load %arg4[%get3A_373, %get3A_374] : memref<65x8192xf32, #tpu.memory_space<vmem>>, vector<65x256xf32>
    %dot_general3A_376 = arith.constant dense<0.000000e+00> : vector<576x256xf32>
    %dot_general3A_377 = tpu.matmul %concatenate3A, %get3A_375, %dot_general3A_376 {dimension_numbers = #tpu.dot_dimension_numbers<[1], [0], [0], [1], [0, 0, 1, 1], [], []>, transpose_lhs_hint = false} : vector<576x65xf32>, vector<65x256xf32>, vector<576x256xf32> -> vector<576x256xf32>
    %slice3A_378 = vector.extract_strided_slice %dot_general3A_377 {offsets = [0, 0], sizes = [576, 128], strides = [1, 1]} : vector<576x256xf32> to vector<576x128xf32>
    %slice3A_379 = vector.extract_strided_slice %dot_general3A_377 {offsets = [0, 128], sizes = [576, 128], strides = [1, 1]} : vector<576x256xf32> to vector<576x128xf32>
    %gt3A_380 = arith.cmpf ogt, %slice3A_379, %slice3A_378 : vector<576x128xf32>
    %max3A_381 = arith.maximumf %slice3A_378, %slice3A_379 : vector<576x128xf32>
    %jit3A_382 = arith.constant 43 : i32
    %jit3A_383 = arith.constant 42 : i32
    %broadcast_in_dim3A_384 = vector.broadcast %jit3A_382 : i32 to vector<576x128xi32>
    %broadcast_in_dim3A_385 = vector.broadcast %jit3A_383 : i32 to vector<576x128xi32>
    %select_n3A_386 = arith.select %gt3A_380, %broadcast_in_dim3A_384, %broadcast_in_dim3A_385 : vector<576x128xi1>, vector<576x128xi32>
    %gt3A_387 = arith.cmpf ogt, %max3A_381, %max3A_371 : vector<576x128xf32>
    %max3A_388 = arith.maximumf %max3A_381, %max3A_371 : vector<576x128xf32>
    %select_n3A_389 = arith.select %gt3A_387, %select_n3A_386, %select_n3A_372 : vector<576x128xi1>, vector<576x128xi32>
    %get3A_390 = arith.constant 0 : index
    %get3A_391 = arith.constant 5632 : index
    %get3A_392 = vector.load %arg4[%get3A_390, %get3A_391] : memref<65x8192xf32, #tpu.memory_space<vmem>>, vector<65x256xf32>
    %dot_general3A_393 = arith.constant dense<0.000000e+00> : vector<576x256xf32>
    %dot_general3A_394 = tpu.matmul %concatenate3A, %get3A_392, %dot_general3A_393 {dimension_numbers = #tpu.dot_dimension_numbers<[1], [0], [0], [1], [0, 0, 1, 1], [], []>, transpose_lhs_hint = false} : vector<576x65xf32>, vector<65x256xf32>, vector<576x256xf32> -> vector<576x256xf32>
    %slice3A_395 = vector.extract_strided_slice %dot_general3A_394 {offsets = [0, 0], sizes = [576, 128], strides = [1, 1]} : vector<576x256xf32> to vector<576x128xf32>
    %slice3A_396 = vector.extract_strided_slice %dot_general3A_394 {offsets = [0, 128], sizes = [576, 128], strides = [1, 1]} : vector<576x256xf32> to vector<576x128xf32>
    %gt3A_397 = arith.cmpf ogt, %slice3A_396, %slice3A_395 : vector<576x128xf32>
    %max3A_398 = arith.maximumf %slice3A_395, %slice3A_396 : vector<576x128xf32>
    %jit3A_399 = arith.constant 45 : i32
    %jit3A_400 = arith.constant 44 : i32
    %broadcast_in_dim3A_401 = vector.broadcast %jit3A_399 : i32 to vector<576x128xi32>
    %broadcast_in_dim3A_402 = vector.broadcast %jit3A_400 : i32 to vector<576x128xi32>
    %select_n3A_403 = arith.select %gt3A_397, %broadcast_in_dim3A_401, %broadcast_in_dim3A_402 : vector<576x128xi1>, vector<576x128xi32>
    %gt3A_404 = arith.cmpf ogt, %max3A_398, %max3A_388 : vector<576x128xf32>
    %max3A_405 = arith.maximumf %max3A_398, %max3A_388 : vector<576x128xf32>
    %select_n3A_406 = arith.select %gt3A_404, %select_n3A_403, %select_n3A_389 : vector<576x128xi1>, vector<576x128xi32>
    %get3A_407 = arith.constant 0 : index
    %get3A_408 = arith.constant 5888 : index
    %get3A_409 = vector.load %arg4[%get3A_407, %get3A_408] : memref<65x8192xf32, #tpu.memory_space<vmem>>, vector<65x256xf32>
    %dot_general3A_410 = arith.constant dense<0.000000e+00> : vector<576x256xf32>
    %dot_general3A_411 = tpu.matmul %concatenate3A, %get3A_409, %dot_general3A_410 {dimension_numbers = #tpu.dot_dimension_numbers<[1], [0], [0], [1], [0, 0, 1, 1], [], []>, transpose_lhs_hint = false} : vector<576x65xf32>, vector<65x256xf32>, vector<576x256xf32> -> vector<576x256xf32>
    %slice3A_412 = vector.extract_strided_slice %dot_general3A_411 {offsets = [0, 0], sizes = [576, 128], strides = [1, 1]} : vector<576x256xf32> to vector<576x128xf32>
    %slice3A_413 = vector.extract_strided_slice %dot_general3A_411 {offsets = [0, 128], sizes = [576, 128], strides = [1, 1]} : vector<576x256xf32> to vector<576x128xf32>
    %gt3A_414 = arith.cmpf ogt, %slice3A_413, %slice3A_412 : vector<576x128xf32>
    %max3A_415 = arith.maximumf %slice3A_412, %slice3A_413 : vector<576x128xf32>
    %jit3A_416 = arith.constant 47 : i32
    %jit3A_417 = arith.constant 46 : i32
    %broadcast_in_dim3A_418 = vector.broadcast %jit3A_416 : i32 to vector<576x128xi32>
    %broadcast_in_dim3A_419 = vector.broadcast %jit3A_417 : i32 to vector<576x128xi32>
    %select_n3A_420 = arith.select %gt3A_414, %broadcast_in_dim3A_418, %broadcast_in_dim3A_419 : vector<576x128xi1>, vector<576x128xi32>
    %gt3A_421 = arith.cmpf ogt, %max3A_415, %max3A_405 : vector<576x128xf32>
    %max3A_422 = arith.maximumf %max3A_415, %max3A_405 : vector<576x128xf32>
    %select_n3A_423 = arith.select %gt3A_421, %select_n3A_420, %select_n3A_406 : vector<576x128xi1>, vector<576x128xi32>
    %get3A_424 = arith.constant 0 : index
    %get3A_425 = arith.constant 6144 : index
    %get3A_426 = vector.load %arg4[%get3A_424, %get3A_425] : memref<65x8192xf32, #tpu.memory_space<vmem>>, vector<65x256xf32>
    %dot_general3A_427 = arith.constant dense<0.000000e+00> : vector<576x256xf32>
    %dot_general3A_428 = tpu.matmul %concatenate3A, %get3A_426, %dot_general3A_427 {dimension_numbers = #tpu.dot_dimension_numbers<[1], [0], [0], [1], [0, 0, 1, 1], [], []>, transpose_lhs_hint = false} : vector<576x65xf32>, vector<65x256xf32>, vector<576x256xf32> -> vector<576x256xf32>
    %slice3A_429 = vector.extract_strided_slice %dot_general3A_428 {offsets = [0, 0], sizes = [576, 128], strides = [1, 1]} : vector<576x256xf32> to vector<576x128xf32>
    %slice3A_430 = vector.extract_strided_slice %dot_general3A_428 {offsets = [0, 128], sizes = [576, 128], strides = [1, 1]} : vector<576x256xf32> to vector<576x128xf32>
    %gt3A_431 = arith.cmpf ogt, %slice3A_430, %slice3A_429 : vector<576x128xf32>
    %max3A_432 = arith.maximumf %slice3A_429, %slice3A_430 : vector<576x128xf32>
    %jit3A_433 = arith.constant 49 : i32
    %jit3A_434 = arith.constant 48 : i32
    %broadcast_in_dim3A_435 = vector.broadcast %jit3A_433 : i32 to vector<576x128xi32>
    %broadcast_in_dim3A_436 = vector.broadcast %jit3A_434 : i32 to vector<576x128xi32>
    %select_n3A_437 = arith.select %gt3A_431, %broadcast_in_dim3A_435, %broadcast_in_dim3A_436 : vector<576x128xi1>, vector<576x128xi32>
    %gt3A_438 = arith.cmpf ogt, %max3A_432, %max3A_422 : vector<576x128xf32>
    %max3A_439 = arith.maximumf %max3A_432, %max3A_422 : vector<576x128xf32>
    %select_n3A_440 = arith.select %gt3A_438, %select_n3A_437, %select_n3A_423 : vector<576x128xi1>, vector<576x128xi32>
    %get3A_441 = arith.constant 0 : index
    %get3A_442 = arith.constant 6400 : index
    %get3A_443 = vector.load %arg4[%get3A_441, %get3A_442] : memref<65x8192xf32, #tpu.memory_space<vmem>>, vector<65x256xf32>
    %dot_general3A_444 = arith.constant dense<0.000000e+00> : vector<576x256xf32>
    %dot_general3A_445 = tpu.matmul %concatenate3A, %get3A_443, %dot_general3A_444 {dimension_numbers = #tpu.dot_dimension_numbers<[1], [0], [0], [1], [0, 0, 1, 1], [], []>, transpose_lhs_hint = false} : vector<576x65xf32>, vector<65x256xf32>, vector<576x256xf32> -> vector<576x256xf32>
    %slice3A_446 = vector.extract_strided_slice %dot_general3A_445 {offsets = [0, 0], sizes = [576, 128], strides = [1, 1]} : vector<576x256xf32> to vector<576x128xf32>
    %slice3A_447 = vector.extract_strided_slice %dot_general3A_445 {offsets = [0, 128], sizes = [576, 128], strides = [1, 1]} : vector<576x256xf32> to vector<576x128xf32>
    %gt3A_448 = arith.cmpf ogt, %slice3A_447, %slice3A_446 : vector<576x128xf32>
    %max3A_449 = arith.maximumf %slice3A_446, %slice3A_447 : vector<576x128xf32>
    %jit3A_450 = arith.constant 51 : i32
    %jit3A_451 = arith.constant 50 : i32
    %broadcast_in_dim3A_452 = vector.broadcast %jit3A_450 : i32 to vector<576x128xi32>
    %broadcast_in_dim3A_453 = vector.broadcast %jit3A_451 : i32 to vector<576x128xi32>
    %select_n3A_454 = arith.select %gt3A_448, %broadcast_in_dim3A_452, %broadcast_in_dim3A_453 : vector<576x128xi1>, vector<576x128xi32>
    %gt3A_455 = arith.cmpf ogt, %max3A_449, %max3A_439 : vector<576x128xf32>
    %max3A_456 = arith.maximumf %max3A_449, %max3A_439 : vector<576x128xf32>
    %select_n3A_457 = arith.select %gt3A_455, %select_n3A_454, %select_n3A_440 : vector<576x128xi1>, vector<576x128xi32>
    %get3A_458 = arith.constant 0 : index
    %get3A_459 = arith.constant 6656 : index
    %get3A_460 = vector.load %arg4[%get3A_458, %get3A_459] : memref<65x8192xf32, #tpu.memory_space<vmem>>, vector<65x256xf32>
    %dot_general3A_461 = arith.constant dense<0.000000e+00> : vector<576x256xf32>
    %dot_general3A_462 = tpu.matmul %concatenate3A, %get3A_460, %dot_general3A_461 {dimension_numbers = #tpu.dot_dimension_numbers<[1], [0], [0], [1], [0, 0, 1, 1], [], []>, transpose_lhs_hint = false} : vector<576x65xf32>, vector<65x256xf32>, vector<576x256xf32> -> vector<576x256xf32>
    %slice3A_463 = vector.extract_strided_slice %dot_general3A_462 {offsets = [0, 0], sizes = [576, 128], strides = [1, 1]} : vector<576x256xf32> to vector<576x128xf32>
    %slice3A_464 = vector.extract_strided_slice %dot_general3A_462 {offsets = [0, 128], sizes = [576, 128], strides = [1, 1]} : vector<576x256xf32> to vector<576x128xf32>
    %gt3A_465 = arith.cmpf ogt, %slice3A_464, %slice3A_463 : vector<576x128xf32>
    %max3A_466 = arith.maximumf %slice3A_463, %slice3A_464 : vector<576x128xf32>
    %jit3A_467 = arith.constant 53 : i32
    %jit3A_468 = arith.constant 52 : i32
    %broadcast_in_dim3A_469 = vector.broadcast %jit3A_467 : i32 to vector<576x128xi32>
    %broadcast_in_dim3A_470 = vector.broadcast %jit3A_468 : i32 to vector<576x128xi32>
    %select_n3A_471 = arith.select %gt3A_465, %broadcast_in_dim3A_469, %broadcast_in_dim3A_470 : vector<576x128xi1>, vector<576x128xi32>
    %gt3A_472 = arith.cmpf ogt, %max3A_466, %max3A_456 : vector<576x128xf32>
    %max3A_473 = arith.maximumf %max3A_466, %max3A_456 : vector<576x128xf32>
    %select_n3A_474 = arith.select %gt3A_472, %select_n3A_471, %select_n3A_457 : vector<576x128xi1>, vector<576x128xi32>
    %get3A_475 = arith.constant 0 : index
    %get3A_476 = arith.constant 6912 : index
    %get3A_477 = vector.load %arg4[%get3A_475, %get3A_476] : memref<65x8192xf32, #tpu.memory_space<vmem>>, vector<65x256xf32>
    %dot_general3A_478 = arith.constant dense<0.000000e+00> : vector<576x256xf32>
    %dot_general3A_479 = tpu.matmul %concatenate3A, %get3A_477, %dot_general3A_478 {dimension_numbers = #tpu.dot_dimension_numbers<[1], [0], [0], [1], [0, 0, 1, 1], [], []>, transpose_lhs_hint = false} : vector<576x65xf32>, vector<65x256xf32>, vector<576x256xf32> -> vector<576x256xf32>
    %slice3A_480 = vector.extract_strided_slice %dot_general3A_479 {offsets = [0, 0], sizes = [576, 128], strides = [1, 1]} : vector<576x256xf32> to vector<576x128xf32>
    %slice3A_481 = vector.extract_strided_slice %dot_general3A_479 {offsets = [0, 128], sizes = [576, 128], strides = [1, 1]} : vector<576x256xf32> to vector<576x128xf32>
    %gt3A_482 = arith.cmpf ogt, %slice3A_481, %slice3A_480 : vector<576x128xf32>
    %max3A_483 = arith.maximumf %slice3A_480, %slice3A_481 : vector<576x128xf32>
    %jit3A_484 = arith.constant 55 : i32
    %jit3A_485 = arith.constant 54 : i32
    %broadcast_in_dim3A_486 = vector.broadcast %jit3A_484 : i32 to vector<576x128xi32>
    %broadcast_in_dim3A_487 = vector.broadcast %jit3A_485 : i32 to vector<576x128xi32>
    %select_n3A_488 = arith.select %gt3A_482, %broadcast_in_dim3A_486, %broadcast_in_dim3A_487 : vector<576x128xi1>, vector<576x128xi32>
    %gt3A_489 = arith.cmpf ogt, %max3A_483, %max3A_473 : vector<576x128xf32>
    %max3A_490 = arith.maximumf %max3A_483, %max3A_473 : vector<576x128xf32>
    %select_n3A_491 = arith.select %gt3A_489, %select_n3A_488, %select_n3A_474 : vector<576x128xi1>, vector<576x128xi32>
    %get3A_492 = arith.constant 0 : index
    %get3A_493 = arith.constant 7168 : index
    %get3A_494 = vector.load %arg4[%get3A_492, %get3A_493] : memref<65x8192xf32, #tpu.memory_space<vmem>>, vector<65x256xf32>
    %dot_general3A_495 = arith.constant dense<0.000000e+00> : vector<576x256xf32>
    %dot_general3A_496 = tpu.matmul %concatenate3A, %get3A_494, %dot_general3A_495 {dimension_numbers = #tpu.dot_dimension_numbers<[1], [0], [0], [1], [0, 0, 1, 1], [], []>, transpose_lhs_hint = false} : vector<576x65xf32>, vector<65x256xf32>, vector<576x256xf32> -> vector<576x256xf32>
    %slice3A_497 = vector.extract_strided_slice %dot_general3A_496 {offsets = [0, 0], sizes = [576, 128], strides = [1, 1]} : vector<576x256xf32> to vector<576x128xf32>
    %slice3A_498 = vector.extract_strided_slice %dot_general3A_496 {offsets = [0, 128], sizes = [576, 128], strides = [1, 1]} : vector<576x256xf32> to vector<576x128xf32>
    %gt3A_499 = arith.cmpf ogt, %slice3A_498, %slice3A_497 : vector<576x128xf32>
    %max3A_500 = arith.maximumf %slice3A_497, %slice3A_498 : vector<576x128xf32>
    %jit3A_501 = arith.constant 57 : i32
    %jit3A_502 = arith.constant 56 : i32
    %broadcast_in_dim3A_503 = vector.broadcast %jit3A_501 : i32 to vector<576x128xi32>
    %broadcast_in_dim3A_504 = vector.broadcast %jit3A_502 : i32 to vector<576x128xi32>
    %select_n3A_505 = arith.select %gt3A_499, %broadcast_in_dim3A_503, %broadcast_in_dim3A_504 : vector<576x128xi1>, vector<576x128xi32>
    %gt3A_506 = arith.cmpf ogt, %max3A_500, %max3A_490 : vector<576x128xf32>
    %max3A_507 = arith.maximumf %max3A_500, %max3A_490 : vector<576x128xf32>
    %select_n3A_508 = arith.select %gt3A_506, %select_n3A_505, %select_n3A_491 : vector<576x128xi1>, vector<576x128xi32>
    %get3A_509 = arith.constant 0 : index
    %get3A_510 = arith.constant 7424 : index
    %get3A_511 = vector.load %arg4[%get3A_509, %get3A_510] : memref<65x8192xf32, #tpu.memory_space<vmem>>, vector<65x256xf32>
    %dot_general3A_512 = arith.constant dense<0.000000e+00> : vector<576x256xf32>
    %dot_general3A_513 = tpu.matmul %concatenate3A, %get3A_511, %dot_general3A_512 {dimension_numbers = #tpu.dot_dimension_numbers<[1], [0], [0], [1], [0, 0, 1, 1], [], []>, transpose_lhs_hint = false} : vector<576x65xf32>, vector<65x256xf32>, vector<576x256xf32> -> vector<576x256xf32>
    %slice3A_514 = vector.extract_strided_slice %dot_general3A_513 {offsets = [0, 0], sizes = [576, 128], strides = [1, 1]} : vector<576x256xf32> to vector<576x128xf32>
    %slice3A_515 = vector.extract_strided_slice %dot_general3A_513 {offsets = [0, 128], sizes = [576, 128], strides = [1, 1]} : vector<576x256xf32> to vector<576x128xf32>
    %gt3A_516 = arith.cmpf ogt, %slice3A_515, %slice3A_514 : vector<576x128xf32>
    %max3A_517 = arith.maximumf %slice3A_514, %slice3A_515 : vector<576x128xf32>
    %jit3A_518 = arith.constant 59 : i32
    %jit3A_519 = arith.constant 58 : i32
    %broadcast_in_dim3A_520 = vector.broadcast %jit3A_518 : i32 to vector<576x128xi32>
    %broadcast_in_dim3A_521 = vector.broadcast %jit3A_519 : i32 to vector<576x128xi32>
    %select_n3A_522 = arith.select %gt3A_516, %broadcast_in_dim3A_520, %broadcast_in_dim3A_521 : vector<576x128xi1>, vector<576x128xi32>
    %gt3A_523 = arith.cmpf ogt, %max3A_517, %max3A_507 : vector<576x128xf32>
    %max3A_524 = arith.maximumf %max3A_517, %max3A_507 : vector<576x128xf32>
    %select_n3A_525 = arith.select %gt3A_523, %select_n3A_522, %select_n3A_508 : vector<576x128xi1>, vector<576x128xi32>
    %get3A_526 = arith.constant 0 : index
    %get3A_527 = arith.constant 7680 : index
    %get3A_528 = vector.load %arg4[%get3A_526, %get3A_527] : memref<65x8192xf32, #tpu.memory_space<vmem>>, vector<65x256xf32>
    %dot_general3A_529 = arith.constant dense<0.000000e+00> : vector<576x256xf32>
    %dot_general3A_530 = tpu.matmul %concatenate3A, %get3A_528, %dot_general3A_529 {dimension_numbers = #tpu.dot_dimension_numbers<[1], [0], [0], [1], [0, 0, 1, 1], [], []>, transpose_lhs_hint = false} : vector<576x65xf32>, vector<65x256xf32>, vector<576x256xf32> -> vector<576x256xf32>
    %slice3A_531 = vector.extract_strided_slice %dot_general3A_530 {offsets = [0, 0], sizes = [576, 128], strides = [1, 1]} : vector<576x256xf32> to vector<576x128xf32>
    %slice3A_532 = vector.extract_strided_slice %dot_general3A_530 {offsets = [0, 128], sizes = [576, 128], strides = [1, 1]} : vector<576x256xf32> to vector<576x128xf32>
    %gt3A_533 = arith.cmpf ogt, %slice3A_532, %slice3A_531 : vector<576x128xf32>
    %max3A_534 = arith.maximumf %slice3A_531, %slice3A_532 : vector<576x128xf32>
    %jit3A_535 = arith.constant 61 : i32
    %jit3A_536 = arith.constant 60 : i32
    %broadcast_in_dim3A_537 = vector.broadcast %jit3A_535 : i32 to vector<576x128xi32>
    %broadcast_in_dim3A_538 = vector.broadcast %jit3A_536 : i32 to vector<576x128xi32>
    %select_n3A_539 = arith.select %gt3A_533, %broadcast_in_dim3A_537, %broadcast_in_dim3A_538 : vector<576x128xi1>, vector<576x128xi32>
    %gt3A_540 = arith.cmpf ogt, %max3A_534, %max3A_524 : vector<576x128xf32>
    %max3A_541 = arith.maximumf %max3A_534, %max3A_524 : vector<576x128xf32>
    %select_n3A_542 = arith.select %gt3A_540, %select_n3A_539, %select_n3A_525 : vector<576x128xi1>, vector<576x128xi32>
    %get3A_543 = arith.constant 0 : index
    %get3A_544 = arith.constant 7936 : index
    %get3A_545 = vector.load %arg4[%get3A_543, %get3A_544] : memref<65x8192xf32, #tpu.memory_space<vmem>>, vector<65x256xf32>
    %dot_general3A_546 = arith.constant dense<0.000000e+00> : vector<576x256xf32>
    %dot_general3A_547 = tpu.matmul %concatenate3A, %get3A_545, %dot_general3A_546 {dimension_numbers = #tpu.dot_dimension_numbers<[1], [0], [0], [1], [0, 0, 1, 1], [], []>, transpose_lhs_hint = false} : vector<576x65xf32>, vector<65x256xf32>, vector<576x256xf32> -> vector<576x256xf32>
    %slice3A_548 = vector.extract_strided_slice %dot_general3A_547 {offsets = [0, 0], sizes = [576, 128], strides = [1, 1]} : vector<576x256xf32> to vector<576x128xf32>
    %slice3A_549 = vector.extract_strided_slice %dot_general3A_547 {offsets = [0, 128], sizes = [576, 128], strides = [1, 1]} : vector<576x256xf32> to vector<576x128xf32>
    %gt3A_550 = arith.cmpf ogt, %slice3A_549, %slice3A_548 : vector<576x128xf32>
    %max3A_551 = arith.maximumf %slice3A_548, %slice3A_549 : vector<576x128xf32>
    %jit3A_552 = arith.constant 63 : i32
    %jit3A_553 = arith.constant 62 : i32
    %broadcast_in_dim3A_554 = vector.broadcast %jit3A_552 : i32 to vector<576x128xi32>
    %broadcast_in_dim3A_555 = vector.broadcast %jit3A_553 : i32 to vector<576x128xi32>
    %select_n3A_556 = arith.select %gt3A_550, %broadcast_in_dim3A_554, %broadcast_in_dim3A_555 : vector<576x128xi1>, vector<576x128xi32>
    %gt3A_557 = arith.cmpf ogt, %max3A_551, %max3A_541 : vector<576x128xf32>
    %max3A_558 = arith.maximumf %max3A_551, %max3A_541 : vector<576x128xf32>
    %select_n3A_559 = arith.select %gt3A_557, %select_n3A_556, %select_n3A_542 : vector<576x128xi1>, vector<576x128xi32>
    %transpose3A_560 = tpu.transpose %max3A_558, [1, 0] : vector<576x128xf32> -> vector<128x576xf32>
    %transpose3A_561 = tpu.transpose %select_n3A_559, [1, 0] : vector<576x128xi32> -> vector<128x576xi32>
    %mul3A_562 = arith.constant 128 : i32
    %mul3A_563 = vector.broadcast %mul3A_562 : i32 to vector<128x576xi32>
    %mul3A_564 = arith.muli %transpose3A_561, %mul3A_563 : vector<128x576xi32>
    %iota3A = tpu.iota {dimensions = array<i32: 0>} : vector<128x576xi32>
    %add3A_565 = arith.addi %mul3A_564, %iota3A : vector<128x576xi32>
    %reduce_max3A = arith.constant dense<0xFF800000> : vector<576xf32>
    %reduce_max3A_566 = vector.multi_reduction <maximumf>, %transpose3A_560, %reduce_max3A [0] : vector<128x576xf32> to vector<576xf32>
    %broadcast_in_dim3A_567 = vector.shape_cast %reduce_max3A_566 : vector<576xf32> to vector<1x576xf32>
    %eq3A = vector.broadcast %broadcast_in_dim3A_567 : vector<1x576xf32> to vector<128x576xf32>
    %eq3A_568 = arith.cmpf oeq, %transpose3A_560, %eq3A : vector<128x576xf32>
    %jit3A_569 = arith.constant 8192 : i32
    %broadcast_in_dim3A_570 = vector.broadcast %jit3A_569 : i32 to vector<128x576xi32>
    %select_n3A_571 = arith.select %eq3A_568, %add3A_565, %broadcast_in_dim3A_570 : vector<128x576xi1>, vector<128x576xi32>
    %reduce_min3A = arith.constant dense<2147483647> : vector<576xi32>
    %reduce_min3A_572 = vector.multi_reduction <minsi>, %select_n3A_571, %reduce_min3A [0] : vector<128x576xi32> to vector<576xi32>
    %broadcast_in_dim3A_573 = vector.shape_cast %reduce_min3A_572 : vector<576xi32> to vector<1x576xi32>
    %swap3A_574 = arith.constant 0 : index
    %swap3A_575 = arith.constant 0 : index
    %swap3A_576 = arith.constant 0 : index
    %swap3A_577 = vector.load %arg6[%swap3A_574, %swap3A_575, %swap3A_576] : memref<1x1x576xi32, #tpu.memory_space<vmem>>, vector<1x1x576xi32>
    %swap3A_578 = vector.shape_cast %swap3A_577 : vector<1x1x576xi32> to vector<1x576xi32>
    %swap3A_579 = vector.shape_cast %broadcast_in_dim3A_573 : vector<1x576xi32> to vector<1x1x576xi32>
    tpu.vector_store %arg6[%swap3A_574, %swap3A_575, %swap3A_576], %swap3A_579 {strides = array<i32>} : memref<1x1x576xi32, #tpu.memory_space<vmem>>, vector<1x1x576xi32>,
    return
  }
  func.func @transform_0(%arg0: i32) -> (i32, i32, i32) {
    %c0_i32 = arith.constant 0 : i32
    %c0_i32_0 = arith.constant 0 : i32
    %c0_i32_1 = arith.constant 0 : i32
    return %arg0, %c0_i32, %c0_i32_0 : i32, i32, i32
  }
  func.func @transform_1(%arg0: i32) -> (i32, i32) {
    %c0_i32 = arith.constant 0 : i32
    %c0_i32_0 = arith.constant 0 : i32
    %c0_i32_1 = arith.constant 0 : i32
    return %c0_i32, %c0_i32_0 : i32, i32
  }
  func.func @transform_2(%arg0: i32) -> (i32, i32) {
    %c0_i32 = arith.constant 0 : i32
    %c0_i32_0 = arith.constant 0 : i32
    %c0_i32_1 = arith.constant 0 : i32
    return %c0_i32, %c0_i32_0 : i32, i32
  }
  func.func @transform_3(%arg0: i32) -> (i32, i32) {
    %c0_i32 = arith.constant 0 : i32
    %c0_i32_0 = arith.constant 0 : i32
    %c0_i32_1 = arith.constant 0 : i32
    return %c0_i32, %c0_i32_0 : i32, i32
  }
  func.func @transform_4(%arg0: i32) -> (i32, i32, i32) {
    %c0_i32 = arith.constant 0 : i32
    %c0_i32_0 = arith.constant 0 : i32
    %c0_i32_1 = arith.constant 0 : i32
    return %arg0, %c0_i32, %c0_i32_0 : i32, i32, i32
  }
  func.func @transform_5(%arg0: i32) -> (i32, i32, i32) {
    %c0_i32 = arith.constant 0 : i32
    %c0_i32_0 = arith.constant 0 : i32
    %c0_i32_1 = arith.constant 0 : i32
    return %arg0, %c0_i32, %c0_i32_0 : i32, i32, i32
  }
}

module attributes {stable_mosaic.version = 14 : i64} {
  func.func @_decode_body(%arg0: i32, %arg1: memref<1x576x128xf32, #tpu.memory_space<vmem>>, %arg2: memref<1x64x576xf32, #tpu.memory_space<vmem>>, %arg3: memref<768x64xf32, #tpu.memory_space<vmem>>, %arg4: memref<768x1xf32, #tpu.memory_space<vmem>>, %arg5: memref<1x768x576xf32, #tpu.memory_space<vmem>>, %arg6: memref<1x1x128xf32, #tpu.memory_space<vmem>>) attributes {dimension_semantics = [#tpu.dimension_semantics<arbitrary>], iteration_bounds = array<i64: 16>, scalar_prefetch = 0 : i64, scratch_operands = 0 : i64, tpu.core_type = #tpu.core_type<tc>, window_params = [{transform_indices = @transform_0, window_bounds = array<i64: 1, 576, 128>}, {transform_indices = @transform_1, window_bounds = array<i64: 1, 64, 576>}, {pipeline_mode = #tpu.pipeline_mode<synchronous>, transform_indices = @transform_2, window_bounds = array<i64: 768, 64>}, {pipeline_mode = #tpu.pipeline_mode<synchronous>, transform_indices = @transform_3, window_bounds = array<i64: 768, 1>}, {transform_indices = @transform_4, window_bounds = array<i64: 1, 768, 576>}, {transform_indices = @transform_5, window_bounds = array<i64: 1, 1, 128>}]} {
    %get3A = arith.constant 0 : index
    %get3A_0 = arith.constant 0 : index
    %get3A_1 = arith.constant 0 : index
    %get3A_2 = vector.load %arg1[%get3A, %get3A_0, %get3A_1] : memref<1x576x128xf32, #tpu.memory_space<vmem>>, vector<1x576x64xf32>
    %get3A_3 = vector.shape_cast %get3A_2 : vector<1x576x64xf32> to vector<576x64xf32>
    %get3A_4 = arith.constant 0 : index
    %get3A_5 = arith.constant 0 : index
    %get3A_6 = arith.constant 0 : index
    %get3A_7 = vector.load %arg2[%get3A_4, %get3A_5, %get3A_6] : memref<1x64x576xf32, #tpu.memory_space<vmem>>, vector<1x64x576xf32>
    %get3A_8 = vector.shape_cast %get3A_7 : vector<1x64x576xf32> to vector<64x576xf32>
    %get3A_9 = arith.constant 0 : index
    %get3A_10 = arith.constant 0 : index
    %get3A_11 = vector.load %arg3[%get3A_9, %get3A_10] : memref<768x64xf32, #tpu.memory_space<vmem>>, vector<768x64xf32>
    %dot_general3A = arith.constant dense<0.000000e+00> : vector<768x576xf32>
    %dot_general3A_12 = tpu.matmul %get3A_11, %get3A_3, %dot_general3A {dimension_numbers = #tpu.dot_dimension_numbers<[1], [1], [0], [0], [0, 0, 1, 0], [], []>, transpose_lhs_hint = false} : vector<768x64xf32>, vector<576x64xf32>, vector<768x576xf32> -> vector<768x576xf32>
    %get3A_13 = arith.constant 0 : index
    %get3A_14 = arith.constant 0 : index
    %get3A_15 = vector.load %arg4[%get3A_13, %get3A_14] : memref<768x1xf32, #tpu.memory_space<vmem>>, vector<768x1xf32>
    %add3A = vector.broadcast %get3A_15 : vector<768x1xf32> to vector<768x576xf32>
    %add3A_16 = arith.addf %dot_general3A_12, %add3A : vector<768x576xf32>
    %swap3A = arith.constant 0 : index
    %swap3A_17 = arith.constant 0 : index
    %swap3A_18 = arith.constant 0 : index
    %swap3A_19 = vector.load %arg5[%swap3A, %swap3A_17, %swap3A_18] : memref<1x768x576xf32, #tpu.memory_space<vmem>>, vector<1x768x576xf32>
    %swap3A_20 = vector.shape_cast %swap3A_19 : vector<1x768x576xf32> to vector<768x576xf32>
    %swap3A_21 = vector.shape_cast %add3A_16 : vector<768x576xf32> to vector<1x768x576xf32>
    tpu.vector_store %arg5[%swap3A, %swap3A_17, %swap3A_18], %swap3A_21 {strides = array<i32>} : memref<1x768x576xf32, #tpu.memory_space<vmem>>, vector<1x768x576xf32>,
    %transpose3A = tpu.transpose %get3A_3, [1, 0] : vector<576x64xf32> -> vector<64x576xf32>
    %sub3A = arith.subf %get3A_8, %transpose3A : vector<64x576xf32>
    %mul3A = arith.mulf %sub3A, %sub3A : vector<64x576xf32>
    %reduce_sum3A = vector.shape_cast %mul3A : vector<64x576xf32> to vector<1x64x576xf32>
    %reduce_sum3A_22 = arith.constant dense<0.000000e+00> : vector<1xf32>
    %reduce_sum3A_23 = vector.multi_reduction <add>, %reduce_sum3A, %reduce_sum3A_22 [1, 2] : vector<1x64x576xf32> to vector<1xf32>
    %reduce_sum3A_24 = vector.shape_cast %reduce_sum3A_23 : vector<1xf32> to vector<1x1x1xf32>
    %reduce_sum3A_25 = vector.extract %reduce_sum3A_24[0, 0, 0] : f32 from vector<1x1x1xf32>
    %broadcast_in_dim3A = vector.broadcast %reduce_sum3A_25 : f32 to vector<1x128xf32>
    %swap3A_26 = arith.constant 0 : index
    %swap3A_27 = arith.constant 0 : index
    %swap3A_28 = arith.constant 0 : index
    %swap3A_29 = vector.load %arg6[%swap3A_26, %swap3A_27, %swap3A_28] : memref<1x1x128xf32, #tpu.memory_space<vmem>>, vector<1x1x128xf32>
    %swap3A_30 = vector.shape_cast %swap3A_29 : vector<1x1x128xf32> to vector<1x128xf32>
    %swap3A_31 = vector.shape_cast %broadcast_in_dim3A : vector<1x128xf32> to vector<1x1x128xf32>
    tpu.vector_store %arg6[%swap3A_26, %swap3A_27, %swap3A_28], %swap3A_31 {strides = array<i32>} : memref<1x1x128xf32, #tpu.memory_space<vmem>>, vector<1x1x128xf32>,
    return
  }
  func.func @transform_0(%arg0: i32) -> (i32, i32, i32) {
    %c0_i32 = arith.constant 0 : i32
    %c0_i32_0 = arith.constant 0 : i32
    %c0_i32_1 = arith.constant 0 : i32
    return %arg0, %c0_i32, %c0_i32_0 : i32, i32, i32
  }
  func.func @transform_1(%arg0: i32) -> (i32, i32, i32) {
    %c0_i32 = arith.constant 0 : i32
    %c0_i32_0 = arith.constant 0 : i32
    %c0_i32_1 = arith.constant 0 : i32
    return %arg0, %c0_i32, %c0_i32_0 : i32, i32, i32
  }
  func.func @transform_2(%arg0: i32) -> (i32, i32) {
    %c0_i32 = arith.constant 0 : i32
    %c0_i32_0 = arith.constant 0 : i32
    %c0_i32_1 = arith.constant 0 : i32
    return %c0_i32, %c0_i32_0 : i32, i32
  }
  func.func @transform_3(%arg0: i32) -> (i32, i32) {
    %c0_i32 = arith.constant 0 : i32
    %c0_i32_0 = arith.constant 0 : i32
    %c0_i32_1 = arith.constant 0 : i32
    return %c0_i32, %c0_i32_0 : i32, i32
  }
  func.func @transform_4(%arg0: i32) -> (i32, i32, i32) {
    %c0_i32 = arith.constant 0 : i32
    %c0_i32_0 = arith.constant 0 : i32
    %c0_i32_1 = arith.constant 0 : i32
    return %arg0, %c0_i32, %c0_i32_0 : i32, i32, i32
  }
  func.func @transform_5(%arg0: i32) -> (i32, i32, i32) {
    %c0_i32 = arith.constant 0 : i32
    %c0_i32_0 = arith.constant 0 : i32
    %c0_i32_1 = arith.constant 0 : i32
    return %arg0, %c0_i32, %c0_i32_0 : i32, i32, i32
  }
}

</mosaic_0001>

<sc_bundles>
// kernel: kernel.5.cloned.1.call-start
scs
__scs_entry_jumppad:
0x0: {  	(pc) =	sbr.rel $0x88, $3  }
0x1: {  	(tag) =	ssettag $0x0;
	lr =	simm.s32 $0x1  }
0x2: {  	[smem:$0x3F99] =	sst lr;
	_ =	strace $0xD0000000  }
0x3: {  	_ = 	snop  }
0x4: {  	_ = 	snop  }
0x5: {  	_ = 	snop  }
0x6: {  	_ = 	snop  }
0x7: {  	_ = 	snop  }
__scs_overlays_trampoline_lowered:
0x8: {  	[smem:$0x3FA8] =	sst s0  }
0x9: {  	[smem:$0x3FA9] =	sst s1  }
0xa: {  	[smem:$0x3FAA] =	sst s2  }
0xb: {  	[smem:$0x3FAB] =	sst s3  }
0xc: {  	[smem:$0x3FAC] =	sst s4  }
0xd: {  	[smem:$0x3FAD] =	sst s5  }
0xe: {  	[smem:$0x3FAE] =	sst s6  }
0xf: {  	[smem:$0x3FAF] =	sst s7  }
0x10: {  	[smem:$0x3FB0] =	sst s8  }
0x11: {  	[smem:$0x3FB1] =	sst s9;
	s0 =	simm.s32 @!p0 $0x0  }
0x12: {  	s1 =	sld [smem:$0x3F97];
	s0 =	simm.s32 @p0 $0x1  }
0x13: {  	[smem:$0x3FB2] =	sst s0;
	s0 =	simm.s32 @!p1 $0x0  }
0x14: {  	s2 =	sld [smem:$0x3F96];
	s0 =	simm.s32 @p1 $0x1  }
0x15: {  	[smem:$0x3FB3] =	sst s0;
	s0 =	simm.s32 @!p2 $0x0  }
0x16: {  	s3 =	sld [smem:$0x3FDB];
	s0 =	simm.s32 @p2 $0x1  }
0x17: {  	s4 =	simm.s32 $0x1BF5;
	[smem:$0x3FB5] =	sst s0  }
0x18: {  	s0 =	sld [smem:$0x3F98];
	_ =	swait.ge [sflag:s4], $0x0  }
0x19: {  	s7 =	sld [smem:$0x3F99]  }
0x1a: {  	s8 =	sadd.s32 $0xFFFFE003, lr  }
0x1b: {  	s9 =	sadd.s32 $0xFFFFFEF7, lr;
	s5 =	simm.s32 $0xFFFFFFFF;
	p2 =	slt.u32 s8, $0xFFFFF086  }
0x1c: {  	p1 =	slt.u32 s9, $0xF7A;
	s5 =	simm.s32 @!p2 $0x0  }
0x1d: {  	s5 =	simm.s32 @p1 $0x1;
	p0 =	seq.s32 s7, s2  }
0x1e: {  	s7 =	smul.u32 @!p0 $0xF7A, s2;
	p2 =	seq.s32 @!p0 s5, $0x0  }
0x1f: {  	s9 =	smul.u32 $0xF7A, s1;
	s8 =	simm.s32 @!p0 $0x1BF5;
	p2 =	por !p2, p0  }
0x20: {  	[sflag:s8] =	ssyncset.s32 @!p0 $0xFFFFF086;
	s6 =	sadd.s32 @!p0 s3, s7;
	s7 =	simm.s32 @!p0 $0x108  }
0x21: {  	s3 =	sadd.s32 s3, s9;
	s6 =	sadd.s32 @!p0 $0x88, s6;
	s7 =	simm.s32 @p2 $0x1082  }
0x22: {  	[simem:s7], [sflag:s8] =	dma.local @!p0 [hbm:s6], $0xF7A  }
0x23: {  	s9 =	sor.u32 $0xD0000000, s2;
	s6 =	simm.s32 $0x108;
	_ =	swait.ge @!p0 [sflag:s8], $0x0  }
0x24: {  	s3 =	sadd.s32 $0x88, s3;
	s6 =	simm.s32 @!p1 $0x1082;
	[sflag:s4] =	ssyncset.s32 $0xFFFFF086  }
0x25: {  	[simem:s6], [sflag:s4] =	dma.local [hbm:s3], $0xF7A  }
0x26: {  	[smem:$0x3F99] =	sst s1;
	(tag) =	ssettag s2;
	_ =	strace s9  }
0x27: {  	s1 =	sld [smem:$0x3FA9]  }
0x28: {  	s2 =	sld [smem:$0x3FAA]  }
0x29: {  	s4 =	sld [smem:$0x3FAC]  }
0x2a: {  	p0 =	seq.s32 s5, $0x0;
	s5 =	sld [smem:$0x3FAD]  }
0x2b: {  	s6 =	sld [smem:$0x3FAE]  }
0x2c: {  	s7 =	sld [smem:$0x3FAF]  }
0x2d: {  	s3 =	simm.s32 $0x108;
	s8 =	sld [smem:$0x3FB0]  }
0x2e: {  	s3 =	simm.s32 @!p0 $0x1082;
	s9 =	sld [smem:$0x3FB1]  }
0x2f: {  	lr =	sadd.s32 s0, s3;
	s0 =	sld [smem:$0x3FA8]  }
0x30: {  	s3 =	sld [smem:$0x3FAB]  }
0x31: {  	[smem:$0x3FB4] =	sst s10  }
0x32: {  	s10 =	sld [smem:$0x3FB2];
	_ =	sdelay $0x3  }
0x33: {  	p0 =	seq.s32 s10, $0x1;
	s10 =	sld [smem:$0x3FB4];
	_ =	sdelay $0x3  }
0x34: {  	[smem:$0x3FB4] =	sst s10  }
0x35: {  	s10 =	sld [smem:$0x3FB3];
	_ =	sdelay $0x3  }
0x36: {  	p1 =	seq.s32 s10, $0x1;
	s10 =	sld [smem:$0x3FB4];
	_ =	sdelay $0x3  }
0x37: {  	[smem:$0x3FB4] =	sst s10  }
0x38: {  	s10 =	sld [smem:$0x3FB5]  }
0x39: {  	_ = 	snop;
	(pc) =	sbr.ind lr, $3  }
0x3a: {  	_ = 	snop  }
0x3b: {  	_ = 	snop  }
0x3c: {  	p2 =	seq.s32 s10, $0x1;
	s10 =	sld [smem:$0x3FB4]  }
0x3d: {  	_ =	shalt  }
0x3e: {  	_ =	shalt  }
0x3f: {  	_ =	shalt  }
0x40: {  	_ =	shalt  }
0x41: {  	_ =	shalt  }
0x42: {  	_ =	shalt  }
0x43: {  	_ =	shalt  }
0x44: {  	_ =	shalt  }
0x45: {  	_ =	shalt  }
0x46: {  	_ =	shalt  }
0x47: {  	_ =	shalt  }
0x48: {  	_ =	shalt  }
0x49: {  	_ =	shalt  }
0x4a: {  	_ =	shalt  }
0x4b: {  	_ =	shalt  }
0x4c: {  	_ =	shalt  }
0x4d: {  	_ =	shalt  }
0x4e: {  	_ =	shalt  }
0x4f: {  	_ =	shalt  }
0x50: {  	_ =	shalt  }
0x51: {  	_ =	shalt  }
0x52: {  	_ =	shalt  }
0x53: {  	_ =	shalt  }
0x54: {  	_ =	shalt  }
0x55: {  	_ =	shalt  }
0x56: {  	_ =	shalt  }
0x57: {  	_ =	shalt  }
0x58: {  	_ =	shalt  }
0x59: {  	_ =	shalt  }
0x5a: {  	_ =	shalt  }
0x5b: {  	_ =	shalt  }
0x5c: {  	_ =	shalt  }
0x5d: {  	_ =	shalt  }
0x5e: {  	_ =	shalt  }
0x5f: {  	_ =	shalt  }
0x60: {  	_ =	shalt  }
0x61: {  	_ =	shalt  }
0x62: {  	_ =	shalt  }
0x63: {  	_ =	shalt  }
0x64: {  	_ =	shalt  }
0x65: {  	_ =	shalt  }
0x66: {  	_ =	shalt  }
0x67: {  	_ =	shalt  }
0x68: {  	_ =	shalt  }
0x69: {  	_ =	shalt  }
0x6a: {  	_ =	shalt  }
0x6b: {  	_ =	shalt  }
0x6c: {  	_ =	shalt  }
0x6d: {  	_ =	shalt  }
0x6e: {  	_ =	shalt  }
0x6f: {  	_ =	shalt  }
0x70: {  	_ =	shalt  }
0x71: {  	_ =	shalt  }
0x72: {  	_ =	shalt  }
0x73: {  	_ =	shalt  }
0x74: {  	_ =	shalt  }
0x75: {  	_ =	shalt  }
0x76: {  	_ =	shalt  }
0x77: {  	_ =	shalt  }
0x78: {  	_ =	shalt  }
0x79: {  	_ =	shalt  }
0x7a: {  	_ =	shalt  }
0x7b: {  	_ =	shalt  }
0x7c: {  	_ =	shalt  }
0x7d: {  	_ =	shalt  }
0x7e: {  	_ =	shalt  }
0x7f: {  	_ =	shalt  }
0x80: {  	_ =	shalt  }
0x81: {  	_ =	shalt  }
0x82: {  	_ =	shalt  }
0x83: {  	_ =	shalt  }
0x84: {  	_ =	shalt  }
0x85: {  	_ =	shalt  }
0x86: {  	_ =	shalt  }
0x87: {  	_ =	shalt  }
.Lfunc_end0:
.L_simem_size_0:
called_computation_lowered:
.L_overlay_start_0:
0x88: {  	s2 =	sld [smem:$0x3FD9]  }
0x89: {  	s3 =	sld [smem:$0x3FFE];
	_ =	sdelay $0x1  }
0x8a: {  	s1 =	srdreg.scid  }
0x8b: {  	s0 =	sand.u32 $0x1, s1  }
0x8c: {  	s14 =	sshll.u32 s0, $0xA;
	s2 =	sadd.s32 s3, s2  }
0x8d: {  	s2 =	sadd.s32 s2, s14  }
0x8e: {  	[smem:$0x3FC0] =	sst s2  }
0x8f: {  	_ = 	snop  }
0x90: {  	s2 =	sld [smem:$0x3FD0];
	_ =	sdelay $0x2  }
0x91: {  	s15 =	simm.s32 $0xA;
	s4 =	simm.s32 $0x10  }
0x92: {  	[smem:s4], [sflag:s15] =	dma.local [hbm:s2], $0x1  }
0x93: {  	_ =	swait.eq [sflag:s15], $0x1  }
0x94: {  	[sflag:s15] =	ssyncset.done $0x0  }
0x95: {  	[sflag:s15] =	ssyncadd.s32 $0xFFFFFFFF  }
0x96: {  	s16 =	sld [smem:$0x10];
	(tm) =	ssettm $0x1  }
0x97: {  	s17 =	sld [smem:$0x3FFB];
	_ =	sdelay $0x3  }
0x98: {  	_ =	strace s17  }
0x99: {  	s3 =	sld [smem:$0x3FFC];
	_ =	sdelay $0x3  }
0x9a: {  	_ =	strace s3  }
0x9b: {  	s3 =	sld [smem:$0x3FFD];
	_ =	sdelay $0x3  }
0x9c: {  	_ =	strace s3  }
0x9d: {  	_ =	strace $0x8FFFFFFF  }
0x9e: {  	s18 =	sld [smem:$0x3FDB];
	_ =	sdelay $0x1  }
0x9f: {  	s19 =	simm.s32 $_scs_section_size  }
0xa0: {  	s5 =	simm.s32 $_size__tile_overlayer_lowered;
	s6 =	simm.s32 $_tile_overlayer_lowered  }
0xa1: {  	s22 =	simm.s32 $0x1BFF;
	s21 =	sshll.u32 s6, $0x1;
	s3 =	sadd.s32 s19, s18  }
0xa2: {  	s7 =	simm.s32 $0x0;
	s20 =	sshll.u32 s5, $0x1;
	s5 =	sadd.s32 s21, s3  }
0xa3: {  	[timem:s7], [sflag:s22] =	dma.local [hbm:s5], s20  }
0xa4: {  	_ =	swait.ge [sflag:s22], s20  }
0xa5: {  	s4 =	ssub.s32 $0x0, s20;
	[sflag:s22] =	ssyncset.done $0x0  }
0xa6: {  	[sflag:s22] =	ssyncadd.s32 s4;
	_ =	sdelay $0x1  }
0xa7: {  	s23 =	simm.s32 $0x1B8B  }
0xa8: {  	_ =	swait.ge [sflag:s23], $0x1  }
0xa9: {  	[sflag:s23] =	ssyncset.done $0x0  }
0xaa: {  	s25 =	simm.s32 $0x1B8E;
	s24 =	sld [smem:$0x3FFE];
	[sflag:s23] =	ssyncadd.s32 $0xFFFFFFFF  }
0xab: {  	s26 =	simm.s32 $execute0_lowered;
	[smem:$0x3FD2] =	sst s25  }
0xac: {  	s5 =	sshll.u32 s26, $0x1;
	_ =	strace $0x80000046;
	[dreg:$0x1] =	wrdreg $0xFFFFFFFF  }
0xad: {  	s28 =	simm.s32 $_size_execute0_lowered;
	s3 =	sadd.s32 s3, s5;
	[dreg:$0x0] =	wrdreg $0x0  }
0xae: {  	s5 =	sshll.u32 s28, $0x1;
	[dreg:$0x2] =	wrdreg s3  }
0xaf: {  	[dreg:$0x3] =	wrdreg s5  }
0xb0: {  	[dreg:$0x4] =	wrdreg $0xC0  }
0xb1: {  	_ =	task [dreg:s7], $0x5FFFF  }
0xb2: {  	[dreg:$0x1] =	wrdreg $0xFFFFFFFF  }
0xb3: {  	[dreg:$0x0] =	wrdreg $0x60  }
0xb4: {  	[dreg:$0x2] =	wrdreg s24  }
0xb5: {  	[dreg:$0x3] =	wrdreg s16  }
0xb6: {  	[dreg:$0x4] =	wrdreg $0x9  }
0xb7: {  	_ =	task.clear_ibuf [dreg:s7], $0x5FFFF;
	_ =	strace $0x90000046  }
0xb8: {  	s29 =	simm.s32 $0x9;
	_ =	strace $0x80000048  }
0xb9: {  	_ =	swait.ge [sflag:s29], $0x1  }
0xba: {  	[sflag:s29] =	ssyncadd.s32 $0xFFFFFFFF  }
0xbb: {  	_ =	strace $0x90000048  }
0xbc: {  	_ =	sfence  }
0xbd: {  	s30 =	sld [smem:$0x0];
	_ =	sdelay $0x2  }
0xbe: {  	s31 =	sshll.u32 s1, $0xD;
	s1 =	sshrl.u32 s1, $0x2  }
0xbf: {  	s3 =	sand.u32 $0x4000, s31;
	s1 =	sadd.s32 s1, s30  }
0xc0: {  	s0 =	sor.u32 s3, s0;
	s1 =	sshll.u32 s1, $0x11  }
0xc1: {  	s0 =	sor.u32 s1, s0  }
0xc2: {  	s0 =	sadd.s32 $0x8F2B, s0  }
0xc3: {  	[sflag:s0] =	ssyncadd.remote.s32 $0x1  }
0xc4: {  	_ =	sfence.sel $0xFFFF  }
0xc5: {  	[dreg:$0x0] =	wrdreg $0xFFFFFFFF;
	(pc) =	sbr.abs _section_cstart, $3  }
0xc6: {  	[dreg:$0x1] =	wrdreg $0xFFFFFFFF  }
0xc7: {  	_ =	task.clear_ibuf [dreg:s7], $0x2FFFF;
	_ =	strace $0x9FFFFFFF  }
0xc8: {  	(tm) =	ssettm $0x7FFFFFFF  }
0xc9: {  	_ =	shalt  }
tec
execute0_lowered:
.L_overlay_start_1:
0x0: {  	(tag) =	ssettag $0x1  }
0x1: {  	s5 =	rddreg [dreg:$0x0]  }
0x2: {  	s1 =	srdreg.scid;
	s0 =	stileid.u32  }
0x3: {  	s14 =	rddreg [dreg:$0x1];
	s15 =	sand.u32 $0x1, s1;
	s3 =	sshll.u32 s0, $0x1  }
0x4: {  	s2 =	simm.s32 $0x0;
	s1 =	rddreg [dreg:$0x2];
	s16 =	sor.u32 s15, s3  }
0x5: {  	[smem:$0x7FF] =	sst s2;
	s3 =	sshll.u32 s16, $0x6  }
0x6: {  	_ =	strace $0x80000047;
	s4 =	sadd.s32 s5, s3;
	s3 =	simm.s32 $0x2  }
0x7: {  	[tilespmem:s2], [sflag:$0x2] =	stream.linear.gather [hbm4b:s4+s2], $0x180, $0x38;
	[tilespmem:$0x9200] =	vst v63  }
0x8: {  	_ =	swait.ge [sflag:s3], $0x180  }
0x9: {  	s6 =	simm.s32 $0x60;
	[sflag:s3] =	ssyncset.done $0x0  }
0xa: {  	s7 =	simm.s32 $0x200;
	s5 =	sadd.s32 $0x800, s5;
	[sflag:s3] =	ssyncadd.s32 $0xFFFFFE80  }
0xb: {  	[tilespmem:s7], [sflag:$0x1] =	stream.indirect.gather [hbm4b:s5+s6], $0x80, s2, s6, $0xb8;
	[tilespmem:$0x9200] =	vst v63  }
0xc: {  	s8 =	simm.s32 $0x80;
	s9 =	simm.s32 $0x3200  }
0xd: {  	[tilespmem:s9], [sflag:$0x1] =	stream.indirect.gather [hbm4b:s5+s6], $0x80, s8, s6, $0xb8;
	[tilespmem:$0x9200] =	vst v63  }
0xe: {  	s10 =	simm.s32 $0x100;
	s11 =	simm.s32 $0x6200;
	s12 =	simm.s32 $0x1  }
0xf: {  	[tilespmem:s11], [sflag:$0x1] =	stream.indirect.gather [hbm4b:s5+s6], $0x80, s10, s6, $0xb8;
	[tilespmem:$0x9200] =	vst v63  }
0x10: {  	s13 =	smul.u32 $0x1200, s16;
	_ =	swait.ge [sflag:s12], $0x3000  }
0x11: {  	[sflag:s12] =	ssyncset.done $0x0  }
0x12: {  	s13 =	sadd.s32 s14, s13;
	[sflag:s12] =	ssyncadd.s32 $0xFFFFD000  }
0x13: {  	[hbm4b:s13+s2] =	stream.linear.scatter [tilespmem:s7], [sflag:$0x2], $0x3000, $0x38;
	[tilespmem:$0x9200] =	vst v63  }
0x14: {  	_ =	swait.ge [sflag:s3], $0x3000  }
0x15: {  	s16 =	smul.u32 $0x9000, s16;
	[sflag:s3] =	ssyncset.done $0x0  }
0x16: {  	[sflag:s3] =	ssyncadd.s32 $0xFFFFD000  }
0x17: {  	s16 =	sshrl.u32 s16, $0x3;
	_ =	swait.ge [sflag:s12], $0x3000  }
0x18: {  	s16 =	sadd.s32 s14, s16;
	[sflag:s12] =	ssyncset.done $0x0  }
0x19: {  	s15 =	ssub.s32 $0x2, s15;
	s14 =	sadd.s32 $0x600, s16;
	[sflag:s12] =	ssyncadd.s32 $0xFFFFD000  }
0x1a: {  	[hbm4b:s14+s2] =	stream.linear.scatter [tilespmem:s9], [sflag:$0x2], $0x3000, $0x38;
	[tilespmem:$0x9200] =	vst v63  }
0x1b: {  	s17 =	sshrl.u32 s15, $0x1;
	_ =	swait.ge [sflag:s3], $0x3000  }
0x1c: {  	s17 =	ssub.s32 s15, s17;
	[sflag:s3] =	ssyncset.done $0x0  }
0x1d: {  	s31 =	smax.u32 s17, $0x1;
	[sflag:s3] =	ssyncadd.s32 $0xFFFFD000  }
0x1e: {  	p0 =	sne.s32 s31, $0x1;
	_ =	swait.ge [sflag:s12], $0x3000  }
.Ltmp0:
0x1f: {  	[sflag:s12] =	ssyncset.done $0x0;
	(pc) =	sbr.rel @!p0 .LBB2_2-.Ltmp0, $4  }
0x20: {  	s15 =	sadd.s32 $0xC00, s16;
	[sflag:s12] =	ssyncadd.s32 $0xFFFFD000  }
0x21: {  	[hbm4b:s15+s2] =	stream.linear.scatter [tilespmem:s11], [sflag:$0x2], $0x3000, $0x38;
	[tilespmem:$0x9200] =	vst v63  }
0x22: {  	_ =	swait.ge [sflag:s3], $0x3000  }
0x23: {  	s16 =	sadd.s32 $0xFFFFFFFF, s31;
	[sflag:s3] =	ssyncset.done $0x0  }
.LBB2_1:
0x24: {  	p0 =	sne.s32 s16, $0x1;
	s16 =	sadd.s32 $0xFFFFFFFF, s16;
	[sflag:s3] =	ssyncadd.s32 $0xFFFFD000  }
0x25: {  	[tilespmem:s2], [sflag:$0x2] =	stream.linear.gather [hbm4b:s4+s2], $0x180, $0x38;
	[tilespmem:$0x9200] =	vst v63  }
0x26: {  	_ =	swait.ge [sflag:s3], $0x180  }
0x27: {  	[sflag:s3] =	ssyncset.done $0x0  }
0x28: {  	[sflag:s3] =	ssyncadd.s32 $0xFFFFFE80  }
0x29: {  	[tilespmem:s7], [sflag:$0x1] =	stream.indirect.gather [hbm4b:s5+s6], $0x80, s2, s6, $0xb8;
	[tilespmem:$0x9200] =	vst v63  }
0x2a: {  	_ = 	snop  }
0x2b: {  	[tilespmem:s9], [sflag:$0x1] =	stream.indirect.gather [hbm4b:s5+s6], $0x80, s8, s6, $0xb8;
	[tilespmem:$0x9200] =	vst v63  }
0x2c: {  	_ = 	snop  }
0x2d: {  	[tilespmem:s11], [sflag:$0x1] =	stream.indirect.gather [hbm4b:s5+s6], $0x80, s10, s6, $0xb8;
	[tilespmem:$0x9200] =	vst v63  }
0x2e: {  	_ =	swait.ge [sflag:s12], $0x3000  }
0x2f: {  	[sflag:s12] =	ssyncset.done $0x0  }
0x30: {  	[sflag:s12] =	ssyncadd.s32 $0xFFFFD000  }
0x31: {  	[hbm4b:s13+s2] =	stream.linear.scatter [tilespmem:s7], [sflag:$0x2], $0x3000, $0x38;
	[tilespmem:$0x9200] =	vst v63  }
0x32: {  	_ =	swait.ge [sflag:s3], $0x3000  }
0x33: {  	[sflag:s3] =	ssyncset.done $0x0  }
0x34: {  	[sflag:s3] =	ssyncadd.s32 $0xFFFFD000  }
0x35: {  	_ =	swait.ge [sflag:s12], $0x3000  }
0x36: {  	[sflag:s12] =	ssyncset.done $0x0  }
0x37: {  	[sflag:s12] =	ssyncadd.s32 $0xFFFFD000  }
0x38: {  	[hbm4b:s14+s2] =	stream.linear.scatter [tilespmem:s9], [sflag:$0x2], $0x3000, $0x38;
	[tilespmem:$0x9200] =	vst v63  }
0x39: {  	_ =	swait.ge [sflag:s3], $0x3000  }
0x3a: {  	[sflag:s3] =	ssyncset.done $0x0  }
0x3b: {  	[sflag:s3] =	ssyncadd.s32 $0xFFFFD000  }
0x3c: {  	_ =	swait.ge [sflag:s12], $0x3000  }
.Ltmp1:
0x3d: {  	[sflag:s12] =	ssyncset.done $0x0;
	(pc) =	sbr.rel @p0 .LBB2_1-.Ltmp1, $4  }
0x3e: {  	[sflag:s12] =	ssyncadd.s32 $0xFFFFD000  }
0x3f: {  	[hbm4b:s15+s2] =	stream.linear.scatter [tilespmem:s11], [sflag:$0x2], $0x3000, $0x38;
	[tilespmem:$0x9200] =	vst v63  }
0x40: {  	_ =	swait.ge [sflag:s3], $0x3000  }
0x41: {  	[sflag:s3] =	ssyncset.done $0x0  }
.LBB2_2:
0x42: {  	[sflag:s3] =	ssyncadd.s32 $0xFFFFD000  }
0x43: {  	_ =	sfence.sel $0x180000  }
0x44: {  	[bflag:$0x0] =	sbarrier.arrive $0xFFFF  }
0x45: {  	p0 =	sne.s32 s0, $0x0;
	_ =	strace $0x90000047  }
0x46: {  	s0 =	sadd.s32 @!p0 $0x100000, s1;
	[bflag:$0x2] =	sbarrier.arrive $0xFFFF  }
0x47: {  	[sflag:s0] =	ssyncadd.tile.s32 @!p0 $0x1;
	_ =	shalt  }
.Lfunc_end2:
_tile_overlayer_lowered:
.L_overlay_start_2:
0x48: {  	(tag) =	ssettag $0x2  }
0x49: {  	s0 =	rddreg [dreg:$0x0];
	s2 =	stileid.u32  }
0x4a: {  	s1 =	rddreg [dreg:$0x1];
	p0 =	sne.s32 s2, $0x0  }
0x4b: {  	s3 =	rddreg [dreg:$0x2];
	[bflag:$0x3] =	sbarrier.arrive $0xFFFF;
	s2 =	simm.s32 @!p0 $0x1C02  }
0x4c: {  	[timem:s3], [sflag:s2] =	dma.local @!p0 [hbm:s0], s1  }
0x4d: {  	s0 =	simm.s32 @!p0 $0x2  }
0x4e: {  	_ =	swait.ge @!p0 [sflag:s0], s1  }
0x4f: {  	s1 =	ssub.s32 @!p0 $0x0, s1;
	[sflag:s0] =	ssyncset.done @!p0 $0x0  }
0x50: {  	[sflag:s0] =	ssyncadd.s32 @!p0 s1  }
0x51: {  	[bflag:$0x3] =	sbarrier.arrive $0xFFFF  }
0x52: {  	_ =	shalt  }

</sc_bundles>
